<compile_context>
chip_gen: v7x
topology: tpu7x:2x2x1
jax: 0.10.2.dev20260603
libtpu: 0.0.44.dev20260713+nightly
codegen_flags: <defaults>
</compile_context>

<pallas_src>
import jax
import jax.numpy as jnp
from jax import lax
from jax.experimental import pallas as pl
from jax.experimental.pallas import tpu as pltpu
from jax.experimental.pallas import tpu_sc as plsc

N = 10000
E = 320000
D = 128
N2 = 10240

NC = 2
NS = 16
NW = NC * NS
EPW = E // NW
K = 64
EPWG = 10240
NCHUNK = EPWG // K
RPT = N2 // NS

_mesh = plsc.VectorSubcoreMesh(core_axis_name="c", subcore_axis_name="s")



def _deg_body(dst_hbm, z1_hbm, out_hbm, eidx_v, deg_v, sem, sem2):
    c = lax.axis_index("c")
    s = lax.axis_index("s")
    wid = c * NS + s
    dz = pltpu.async_copy(z1_hbm, deg_v, sem)
    di = pltpu.async_copy(dst_hbm.at[pl.ds(wid * EPW, EPW)], eidx_v, sem2)
    dz.wait()
    di.wait()
    ones = jnp.ones((16,), jnp.float32)

    def step(i, carry):
        for t in range(5):
            idx = eidx_v[pl.ds(i * 80 + t * 16, 16)]
            plsc.addupdate_scatter(deg_v, [idx >> 4, idx & 15], ones)
        return carry

    lax.fori_loop(0, EPW // 80, step, 0)
    pltpu.sync_copy(deg_v, out_hbm.at[pl.ds(wid * (N2 // 16), N2 // 16)])


_deg_call = pl.kernel(
    _deg_body,
    out_type=jax.ShapeDtypeStruct((NW * (N2 // 16), 16), jnp.float32),
    mesh=_mesh,
    scratch_types=[
        pltpu.VMEM((EPW,), jnp.int32),
        pltpu.VMEM((N2 // 16, 16), jnp.float32),
        pltpu.SemaphoreType.DMA,
        pltpu.SemaphoreType.DMA,
    ],
    compiler_params=pltpu.CompilerParams(needs_layout_passes=False),
)


NBUF = 4
NGROUP = NCHUNK // NBUF


def _gs_body(u_hbm, sd_hbm, zrow_hbm, out_hbm, *rest):
    rows = rest[:NBUF]
    idxb = rest[NBUF:NBUF + 2]
    acc = rest[NBUF + 2]
    semi = rest[NBUF + 3]
    semz = rest[NBUF + 4]
    semg = rest[NBUF + 5:NBUF + 5 + NBUF]
    sems = rest[NBUF + 5 + NBUF:NBUF + 5 + 2 * NBUF]
    c = lax.axis_index("c")
    s = lax.axis_index("s")
    wid = c * NS + s
    gbase = wid * NGROUP
    d0 = pltpu.async_copy(sd_hbm.at[gbase], idxb[0], semi)
    dz = pltpu.async_copy(zrow_hbm, acc.at[pl.ds(s * RPT, RPT)], semz)
    d0.wait()
    pltpu.async_copy(sd_hbm.at[gbase + 1], idxb[1], semi)
    for b in range(NBUF):
        pltpu.async_copy(u_hbm.at[idxb[0].at[2 * b]], rows[b], semg[b])
    dz.wait()
    plsc.subcore_barrier()

    def do_group(g, cur, nxt):
        descs = []
        for b in range(NBUF):
            pltpu.make_async_copy(u_hbm.at[pl.ds(0, K)], rows[b], semg[b]).wait()
            descs.append(
                pltpu.async_copy(rows[b], acc.at[cur.at[2 * b + 1]], sems[b],
                                 add=True))

        @pl.when(g < NGROUP - 1)
        def _():
            pltpu.make_async_copy(sd_hbm.at[0], nxt, semi).wait()

        for b in range(NBUF):
            descs[b].wait()

            @pl.when(g < NGROUP - 1)
            def _(b=b):
                pltpu.async_copy(u_hbm.at[nxt.at[2 * b]], rows[b], semg[b])

        @pl.when(g < NGROUP - 2)
        def _():
            pltpu.async_copy(sd_hbm.at[gbase + g + 2], cur, semi)

    def pair(gg, carry):
        do_group(2 * gg, idxb[0], idxb[1])
        do_group(2 * gg + 1, idxb[1], idxb[0])
        return carry

    lax.fori_loop(0, NGROUP // 2, pair, 0)
    plsc.subcore_barrier()
    pltpu.sync_copy(acc.at[pl.ds(s * RPT, RPT)],
                    out_hbm.at[c].at[pl.ds(s * RPT, RPT)])


_gs_call = pl.kernel(
    _gs_body,
    out_type=jax.ShapeDtypeStruct((NC, N2, D), jnp.float32),
    mesh=_mesh,
    scratch_types=[
        *[pltpu.VMEM((K, D), jnp.float32) for _ in range(NBUF)],
        *[pltpu.VMEM((2 * NBUF, K), jnp.int32) for _ in range(2)],
        pltpu.VMEM_SHARED((N2, D), jnp.float32),
        pltpu.SemaphoreType.DMA,
        pltpu.SemaphoreType.DMA,
        *[pltpu.SemaphoreType.DMA for _ in range(2 * NBUF)],
    ],
)



R = 2048
G = N2 // R


def _invs(dw_ref):
    deg = jnp.sum(dw_ref[:, :], axis=0)[:, None]
    return lax.rsqrt(jnp.maximum(deg, 1.0))


def _tc1_body(x_ref, w_ref, b_ref, dw_ref, u_ref):
    t = jnp.dot(x_ref[:], w_ref[:], preferred_element_type=jnp.float32) + b_ref[:]
    u_ref[:] = t * _invs(dw_ref)


def _tc2_body(p_ref, dw_ref, w_ref, b_ref, u_ref):
    invs = _invs(dw_ref)
    h1 = jnp.maximum((p_ref[0] + p_ref[1]) * invs, 0.0)
    t = jnp.dot(h1, w_ref[:], preferred_element_type=jnp.float32) + b_ref[:]
    u_ref[:] = t * invs


def _tc3_body(q_ref, dw_ref, x_ref, o_ref):
    h2 = (q_ref[0] + q_ref[1]) * _invs(dw_ref)
    t = jnp.maximum(x_ref[:] + h2, 0.0)
    nrm = jnp.sqrt(jnp.sum(t * t, axis=1, keepdims=True))
    o_ref[:] = t / jnp.maximum(nrm, 1e-12)


_row_spec = pl.BlockSpec((R, D), lambda i: (i, 0))
_dw_spec = pl.BlockSpec((NW, R), lambda i: (0, i))
_pair_spec = pl.BlockSpec((2, R, D), lambda i: (0, i, 0))
_w_spec = pl.BlockSpec((D, D), lambda i: (0, 0))
_b_spec = pl.BlockSpec((1, D), lambda i: (0, 0))

_tc1_call = pl.pallas_call(
    _tc1_body,
    grid=(G,),
    in_specs=[_row_spec, _w_spec, _b_spec, _dw_spec],
    out_specs=_row_spec,
    out_shape=jax.ShapeDtypeStruct((N, D), jnp.float32),
)

_tc2_call = pl.pallas_call(
    _tc2_body,
    grid=(G,),
    in_specs=[_pair_spec, _dw_spec, _w_spec, _b_spec],
    out_specs=_row_spec,
    out_shape=jax.ShapeDtypeStruct((N, D), jnp.float32),
)

_tc3_call = pl.pallas_call(
    _tc3_body,
    grid=(G,),
    in_specs=[_pair_spec, _dw_spec, _row_spec],
    out_specs=_row_spec,
    out_shape=jax.ShapeDtypeStruct((N, D), jnp.float32),
)



def kernel(x, edge_index, W1, b1, W2, b2):
    src = edge_index[0]
    dst = edge_index[1]
    z1 = jnp.zeros((N2 // 16, 16), jnp.float32)
    zrow = jnp.zeros((RPT, D), jnp.float32)
    b1r = b1.reshape(1, D)
    b2r = b2.reshape(1, D)

    npad = NW * EPWG - E
    srcp = jnp.concatenate([src, jnp.arange(npad, dtype=jnp.int32) % N])
    dstp = jnp.concatenate([dst, N + jnp.arange(npad, dtype=jnp.int32) % (N2 - N)])
    src4 = srcp.reshape(NW, NGROUP, NBUF, K)
    dst4 = dstp.reshape(NW, NGROUP, NBUF, K)
    sd = jnp.stack([src4, dst4], axis=3).reshape(NW * NGROUP, 2 * NBUF, K)

    dw = _deg_call(dst, z1).reshape(NW, N2)
    u1 = _tc1_call(x, W1, b1r, dw)
    p = _gs_call(u1, sd, zrow)
    u2 = _tc2_call(p, dw, W2, b2r)
    q = _gs_call(u2, sd, zrow)
    return _tc3_call(q, dw, x)

# --- scband reference (transcript-rebuilt; emitter-appended) ---
"""Pipeline reference for scband-gnnskip-stage-19731079758641 (READ-ONLY COPY).

The authoritative reference and input builder live on the scoring server;
editing this copy changes nothing except your own understanding.
"""

import jax, jax.numpy as jnp
import numpy as np

N = 10000
E = 320000
D = 128


def setup_inputs(seed: int = 0) -> dict:
    key = jax.random.key(seed)
    ks = jax.random.split(key, 6)
    x = jax.random.normal(ks[0], (N, D), dtype=jnp.float32)
    edge_index = jax.random.randint(ks[1], (2, E), 0, N, dtype=jnp.int32)
    W1 = jax.random.normal(ks[2], (D, D), dtype=jnp.float32) * 0.05
    b1 = jnp.zeros((D,), dtype=jnp.float32)
    W2 = jax.random.normal(ks[3], (D, D), dtype=jnp.float32) * 0.05
    b2 = jnp.zeros((D,), dtype=jnp.float32)
    return {"x": x, "edge_index": edge_index, "W1": W1, "b1": b1, "W2": W2, "b2": b2}


def reference(x, edge_index, W1, b1, W2, b2):
    # GNNSkipStage with cfg.gnn.stage_type='skipsum', skip_every=2, num_layers=2,
    # layer_type=gcnconv, act=relu, l2norm=True.
    # One GNNSkipBlock: layer1 (GCN + relu), layer2 (GCN, no act), skip-sum, relu, then l2 normalize.
    src = edge_index[0]
    dst = edge_index[1]
    deg = jnp.zeros((N,), jnp.float32).at[dst].add(1.0)
    deg = jnp.maximum(deg, 1.0)
    norm = jax.lax.rsqrt(deg[src] * deg[dst])

    def gcn(h, W, b):
        h = h @ W + b
        msg = h[src] * norm[:, None]
        return jnp.zeros_like(h).at[dst].add(msg)

    h = jax.nn.relu(gcn(x, W1, b1))
    h = gcn(h, W2, b2)
    out = jax.nn.relu(x + h)  # skipsum + act
    # cfg.gnn.l2norm: F.normalize(p=2, dim=-1)
    out = out / jnp.maximum(jnp.linalg.norm(out, axis=-1, keepdims=True), 1e-12)
    return out

if __name__ == "__main__":
    import jax
    _d = setup_inputs()
    print(jax.jit(kernel)(*tuple(_d.values())))

</pallas_src>

<mosaic_0001>
#map = affine_map<(d0, d1) -> (0, 0)>
#map1 = affine_map<(d0, d1) -> (0, 0, 0)>
module attributes {stable_mosaic.version = 14 : i64} {
  func.func @_gs_body(%arg0: i32, %arg1: i32, %arg2: memref<10000x128xf32, #tpu.memory_space<hbm>>, %arg3: memref<1280x8x64xi32, #tpu.memory_space<hbm>>, %arg4: memref<640x128xf32, #tpu.memory_space<hbm>>, %arg5: memref<2x10240x128xf32, #tpu.memory_space<hbm>>, %arg6: memref<64x128xf32, #tpu.memory_space<vmem>>, %arg7: memref<64x128xf32, #tpu.memory_space<vmem>>, %arg8: memref<64x128xf32, #tpu.memory_space<vmem>>, %arg9: memref<64x128xf32, #tpu.memory_space<vmem>>, %arg10: memref<8x64xi32, #tpu.memory_space<vmem>>, %arg11: memref<8x64xi32, #tpu.memory_space<vmem>>, %arg12: memref<10240x128xf32, #tpu.memory_space<vmem_shared>>, %arg13: memref<!tpu.dma_semaphore, #tpu.memory_space<semaphore_mem>>, %arg14: memref<!tpu.dma_semaphore, #tpu.memory_space<semaphore_mem>>, %arg15: memref<!tpu.dma_semaphore, #tpu.memory_space<semaphore_mem>>, %arg16: memref<!tpu.dma_semaphore, #tpu.memory_space<semaphore_mem>>, %arg17: memref<!tpu.dma_semaphore, #tpu.memory_space<semaphore_mem>>, %arg18: memref<!tpu.dma_semaphore, #tpu.memory_space<semaphore_mem>>, %arg19: memref<!tpu.dma_semaphore, #tpu.memory_space<semaphore_mem>>, %arg20: memref<!tpu.dma_semaphore, #tpu.memory_space<semaphore_mem>>, %arg21: memref<!tpu.dma_semaphore, #tpu.memory_space<semaphore_mem>>, %arg22: memref<!tpu.dma_semaphore, #tpu.memory_space<semaphore_mem>>) attributes {dimension_semantics = [#tpu.dimension_semantics<core_parallel>, #tpu.dimension_semantics<subcore_parallel>], iteration_bounds = array<i64: 2, 16>, scalar_prefetch = 0 : i64, scratch_operands = 17 : i64, tpu.core_type = #tpu.core_type<sc_vector_subcore>, window_params = [{transform_indices = #map}, {transform_indices = #map1}, {transform_indices = #map}, {transform_indices = #map1}]} {
    %mul3A = arith.constant 16 : i32
    %mul3A_0 = arith.muli %arg0, %mul3A : i32
    %add3A = arith.addi %mul3A_0, %arg1 : i32
    %mul3A_1 = arith.constant 40 : i32
    %mul3A_2 = arith.muli %add3A, %mul3A_1 : i32
    %dma_start3A = arith.constant 0 : i32
    %dma_start3A_3 = arith.constant 0 : i32
    %dma_start3A_4 = tpu.memref_slice %arg3[%mul3A_2, %dma_start3A, %dma_start3A_3] : memref<1280x8x64xi32, #tpu.memory_space<hbm>> -> memref<1x8x64xi32, #tpu.memory_space<hbm>>
    %dma_start3A_5 = tpu.memref_squeeze %dma_start3A_4 : memref<1x8x64xi32, #tpu.memory_space<hbm>> -> memref<8x64xi32, #tpu.memory_space<hbm>>
    %dma_start3A_6 = arith.constant 0 : i32
    %dma_start3A_7 = arith.constant 0 : i32
    %dma_start3A_8 = tpu.memref_slice %arg3[%mul3A_2, %dma_start3A_6, %dma_start3A_7] : memref<1280x8x64xi32, #tpu.memory_space<hbm>> -> memref<1x8x64xi32, #tpu.memory_space<hbm>>
    %dma_start3A_9 = tpu.memref_squeeze %dma_start3A_8 : memref<1x8x64xi32, #tpu.memory_space<hbm>> -> memref<8x64xi32, #tpu.memory_space<hbm>>
    tpu.enqueue_dma source(%dma_start3A_9 : memref<8x64xi32, #tpu.memory_space<hbm>>) target(%arg10 : memref<8x64xi32, #tpu.memory_space<vmem>>) target_semaphore(%arg13 : memref<!tpu.dma_semaphore, #tpu.memory_space<semaphore_mem>>)
    %mul3A_10 = arith.constant 640 : i32
    %mul3A_11 = arith.muli %arg1, %mul3A_10 : i32
    %dma_start3A_12 = arith.constant 0 : i32
    %dma_start3A_13 = tpu.memref_slice %arg12[%mul3A_11, %dma_start3A_12] : memref<10240x128xf32, #tpu.memory_space<vmem_shared>> -> memref<640x128xf32, #tpu.memory_space<vmem_shared>>
    tpu.enqueue_dma source(%arg4 : memref<640x128xf32, #tpu.memory_space<hbm>>) target(%dma_start3A_13 : memref<640x128xf32, #tpu.memory_space<vmem_shared>>) target_semaphore(%arg14 : memref<!tpu.dma_semaphore, #tpu.memory_space<semaphore_mem>>)
    %dma_wait3A = arith.constant 0 : i32
    %dma_wait3A_14 = arith.constant 0 : i32
    %dma_wait3A_15 = tpu.memref_slice %arg3[%mul3A_2, %dma_wait3A, %dma_wait3A_14] : memref<1280x8x64xi32, #tpu.memory_space<hbm>> -> memref<1x8x64xi32, #tpu.memory_space<hbm>>
    %dma_wait3A_16 = tpu.memref_squeeze %dma_wait3A_15 : memref<1x8x64xi32, #tpu.memory_space<hbm>> -> memref<8x64xi32, #tpu.memory_space<hbm>>
    %dma_wait3A_17 = arith.constant 0 : i32
    %dma_wait3A_18 = arith.constant 0 : i32
    %dma_wait3A_19 = tpu.memref_slice %arg3[%mul3A_2, %dma_wait3A_17, %dma_wait3A_18] : memref<1280x8x64xi32, #tpu.memory_space<hbm>> -> memref<1x8x64xi32, #tpu.memory_space<hbm>>
    %dma_wait3A_20 = tpu.memref_squeeze %dma_wait3A_19 : memref<1x8x64xi32, #tpu.memory_space<hbm>> -> memref<8x64xi32, #tpu.memory_space<hbm>>
    tpu.wait_dma2 semaphore(%arg13 : memref<!tpu.dma_semaphore, #tpu.memory_space<semaphore_mem>>) src(%dma_wait3A_20 : memref<8x64xi32, #tpu.memory_space<hbm>>) dst(%arg10 : memref<8x64xi32, #tpu.memory_space<vmem>>)
    %add3A_21 = arith.constant 1 : i32
    %add3A_22 = arith.addi %mul3A_2, %add3A_21 : i32
    %dma_start3A_23 = arith.constant 0 : i32
    %dma_start3A_24 = arith.constant 0 : i32
    %dma_start3A_25 = tpu.memref_slice %arg3[%add3A_22, %dma_start3A_23, %dma_start3A_24] : memref<1280x8x64xi32, #tpu.memory_space<hbm>> -> memref<1x8x64xi32, #tpu.memory_space<hbm>>
    %dma_start3A_26 = tpu.memref_squeeze %dma_start3A_25 : memref<1x8x64xi32, #tpu.memory_space<hbm>> -> memref<8x64xi32, #tpu.memory_space<hbm>>
    %dma_start3A_27 = arith.constant 0 : i32
    %dma_start3A_28 = arith.constant 0 : i32
    %dma_start3A_29 = tpu.memref_slice %arg3[%add3A_22, %dma_start3A_27, %dma_start3A_28] : memref<1280x8x64xi32, #tpu.memory_space<hbm>> -> memref<1x8x64xi32, #tpu.memory_space<hbm>>
    %dma_start3A_30 = tpu.memref_squeeze %dma_start3A_29 : memref<1x8x64xi32, #tpu.memory_space<hbm>> -> memref<8x64xi32, #tpu.memory_space<hbm>>
    tpu.enqueue_dma source(%dma_start3A_30 : memref<8x64xi32, #tpu.memory_space<hbm>>) target(%arg11 : memref<8x64xi32, #tpu.memory_space<vmem>>) target_semaphore(%arg13 : memref<!tpu.dma_semaphore, #tpu.memory_space<semaphore_mem>>)
    %dma_start3A_31 = arith.constant 0 : i32
    %dma_start3A_32 = arith.constant 0 : i32
    %dma_start3A_33 = tpu.memref_slice %arg10[%dma_start3A_31, %dma_start3A_32] : memref<8x64xi32, #tpu.memory_space<vmem>> -> memref<1x64xi32, #tpu.memory_space<vmem>>
    %dma_start3A_34 = tpu.memref_squeeze %dma_start3A_33 : memref<1x64xi32, #tpu.memory_space<vmem>> -> memref<64xi32, #tpu.memory_space<vmem>>
    %dma_start3A_35 = arith.constant 0 : i32
    %dma_start3A_36 = arith.constant 0 : i32
    %dma_start3A_37 = tpu.memref_slice %arg2[%dma_start3A_35, %dma_start3A_36] : memref<10000x128xf32, #tpu.memory_space<hbm>> -> memref<10000x128xf32, #tpu.memory_space<hbm>>
    tpu.enqueue_indirect_dma source(%dma_start3A_37 : memref<10000x128xf32, #tpu.memory_space<hbm>>) target(%arg6 : memref<64x128xf32, #tpu.memory_space<vmem>>) offsets(%dma_start3A_34 : memref<64xi32, #tpu.memory_space<vmem>>) semaphore(%arg15 : memref<!tpu.dma_semaphore, #tpu.memory_space<semaphore_mem>>)
    %dma_start3A_38 = arith.constant 2 : i32
    %dma_start3A_39 = arith.constant 0 : i32
    %dma_start3A_40 = tpu.memref_slice %arg10[%dma_start3A_38, %dma_start3A_39] : memref<8x64xi32, #tpu.memory_space<vmem>> -> memref<1x64xi32, #tpu.memory_space<vmem>>
    %dma_start3A_41 = tpu.memref_squeeze %dma_start3A_40 : memref<1x64xi32, #tpu.memory_space<vmem>> -> memref<64xi32, #tpu.memory_space<vmem>>
    %dma_start3A_42 = arith.constant 0 : i32
    %dma_start3A_43 = arith.constant 0 : i32
    %dma_start3A_44 = tpu.memref_slice %arg2[%dma_start3A_42, %dma_start3A_43] : memref<10000x128xf32, #tpu.memory_space<hbm>> -> memref<10000x128xf32, #tpu.memory_space<hbm>>
    tpu.enqueue_indirect_dma source(%dma_start3A_44 : memref<10000x128xf32, #tpu.memory_space<hbm>>) target(%arg7 : memref<64x128xf32, #tpu.memory_space<vmem>>) offsets(%dma_start3A_41 : memref<64xi32, #tpu.memory_space<vmem>>) semaphore(%arg16 : memref<!tpu.dma_semaphore, #tpu.memory_space<semaphore_mem>>)
    %dma_start3A_45 = arith.constant 4 : i32
    %dma_start3A_46 = arith.constant 0 : i32
    %dma_start3A_47 = tpu.memref_slice %arg10[%dma_start3A_45, %dma_start3A_46] : memref<8x64xi32, #tpu.memory_space<vmem>> -> memref<1x64xi32, #tpu.memory_space<vmem>>
    %dma_start3A_48 = tpu.memref_squeeze %dma_start3A_47 : memref<1x64xi32, #tpu.memory_space<vmem>> -> memref<64xi32, #tpu.memory_space<vmem>>
    %dma_start3A_49 = arith.constant 0 : i32
    %dma_start3A_50 = arith.constant 0 : i32
    %dma_start3A_51 = tpu.memref_slice %arg2[%dma_start3A_49, %dma_start3A_50] : memref<10000x128xf32, #tpu.memory_space<hbm>> -> memref<10000x128xf32, #tpu.memory_space<hbm>>
    tpu.enqueue_indirect_dma source(%dma_start3A_51 : memref<10000x128xf32, #tpu.memory_space<hbm>>) target(%arg8 : memref<64x128xf32, #tpu.memory_space<vmem>>) offsets(%dma_start3A_48 : memref<64xi32, #tpu.memory_space<vmem>>) semaphore(%arg17 : memref<!tpu.dma_semaphore, #tpu.memory_space<semaphore_mem>>)
    %dma_start3A_52 = arith.constant 6 : i32
    %dma_start3A_53 = arith.constant 0 : i32
    %dma_start3A_54 = tpu.memref_slice %arg10[%dma_start3A_52, %dma_start3A_53] : memref<8x64xi32, #tpu.memory_space<vmem>> -> memref<1x64xi32, #tpu.memory_space<vmem>>
    %dma_start3A_55 = tpu.memref_squeeze %dma_start3A_54 : memref<1x64xi32, #tpu.memory_space<vmem>> -> memref<64xi32, #tpu.memory_space<vmem>>
    %dma_start3A_56 = arith.constant 0 : i32
    %dma_start3A_57 = arith.constant 0 : i32
    %dma_start3A_58 = tpu.memref_slice %arg2[%dma_start3A_56, %dma_start3A_57] : memref<10000x128xf32, #tpu.memory_space<hbm>> -> memref<10000x128xf32, #tpu.memory_space<hbm>>
    tpu.enqueue_indirect_dma source(%dma_start3A_58 : memref<10000x128xf32, #tpu.memory_space<hbm>>) target(%arg9 : memref<64x128xf32, #tpu.memory_space<vmem>>) offsets(%dma_start3A_55 : memref<64xi32, #tpu.memory_space<vmem>>) semaphore(%arg18 : memref<!tpu.dma_semaphore, #tpu.memory_space<semaphore_mem>>)
    %dma_wait3A_59 = arith.constant 0 : i32
    %dma_wait3A_60 = tpu.memref_slice %arg12[%mul3A_11, %dma_wait3A_59] : memref<10240x128xf32, #tpu.memory_space<vmem_shared>> -> memref<640x128xf32, #tpu.memory_space<vmem_shared>>
    tpu.wait_dma2 semaphore(%arg14 : memref<!tpu.dma_semaphore, #tpu.memory_space<semaphore_mem>>) src(%arg4 : memref<640x128xf32, #tpu.memory_space<hbm>>) dst(%dma_wait3A_60 : memref<640x128xf32, #tpu.memory_space<vmem_shared>>)
    %barrier3A = arith.constant 0 : index
    tpu.barrier barrier_id(%barrier3A)
    %scan3A = arith.constant 0 : i32
    %scan3A_61 = arith.constant 0 : i32
    %scan3A_62 = arith.constant 20 : i32
    %scan3A_63 = arith.addi %scan3A_61, %scan3A_62 : i32
    %scan3A_64 = arith.constant 1 : i32
    scf.for %scan3A_71 = %scan3A_61 to %scan3A_63 step %scan3A_64  : i32 {
      %mul3A_72 = arith.constant 2 : i32
      %mul3A_73 = arith.muli %mul3A_72, %scan3A_71 : i32
      %dma_wait3A_74 = arith.constant 0 : i32
      %dma_wait3A_75 = arith.constant 0 : i32
      %dma_wait3A_76 = tpu.memref_slice %arg2[%dma_wait3A_74, %dma_wait3A_75] : memref<10000x128xf32, #tpu.memory_space<hbm>> -> memref<64x128xf32, #tpu.memory_space<hbm>>
      %dma_wait3A_77 = arith.constant 0 : i32
      %dma_wait3A_78 = arith.constant 0 : i32
      %dma_wait3A_79 = tpu.memref_slice %arg2[%dma_wait3A_77, %dma_wait3A_78] : memref<10000x128xf32, #tpu.memory_space<hbm>> -> memref<64x128xf32, #tpu.memory_space<hbm>>
      tpu.wait_dma2 semaphore(%arg15 : memref<!tpu.dma_semaphore, #tpu.memory_space<semaphore_mem>>) src(%dma_wait3A_79 : memref<64x128xf32, #tpu.memory_space<hbm>>) dst(%arg6 : memref<64x128xf32, #tpu.memory_space<vmem>>)
      %dma_start3A_80 = arith.constant 1 : i32
      %dma_start3A_81 = arith.constant 0 : i32
      %dma_start3A_82 = tpu.memref_slice %arg10[%dma_start3A_80, %dma_start3A_81] : memref<8x64xi32, #tpu.memory_space<vmem>> -> memref<1x64xi32, #tpu.memory_space<vmem>>
      %dma_start3A_83 = tpu.memref_squeeze %dma_start3A_82 : memref<1x64xi32, #tpu.memory_space<vmem>> -> memref<64xi32, #tpu.memory_space<vmem>>
      %dma_start3A_84 = arith.constant 0 : i32
      %dma_start3A_85 = arith.constant 0 : i32
      %dma_start3A_86 = tpu.memref_slice %arg12[%dma_start3A_84, %dma_start3A_85] : memref<10240x128xf32, #tpu.memory_space<vmem_shared>> -> memref<10240x128xf32, #tpu.memory_space<vmem_shared>>
      tpu.enqueue_indirect_dma source(%arg6 : memref<64x128xf32, #tpu.memory_space<vmem>>) target(%dma_start3A_86 : memref<10240x128xf32, #tpu.memory_space<vmem_shared>>) offsets(%dma_start3A_83 : memref<64xi32, #tpu.memory_space<vmem>>) semaphore(%arg19 : memref<!tpu.dma_semaphore, #tpu.memory_space<semaphore_mem>>) {add = true}
      %dma_wait3A_87 = arith.constant 0 : i32
      %dma_wait3A_88 = arith.constant 0 : i32
      %dma_wait3A_89 = tpu.memref_slice %arg2[%dma_wait3A_87, %dma_wait3A_88] : memref<10000x128xf32, #tpu.memory_space<hbm>> -> memref<64x128xf32, #tpu.memory_space<hbm>>
      %dma_wait3A_90 = arith.constant 0 : i32
      %dma_wait3A_91 = arith.constant 0 : i32
      %dma_wait3A_92 = tpu.memref_slice %arg2[%dma_wait3A_90, %dma_wait3A_91] : memref<10000x128xf32, #tpu.memory_space<hbm>> -> memref<64x128xf32, #tpu.memory_space<hbm>>
      tpu.wait_dma2 semaphore(%arg16 : memref<!tpu.dma_semaphore, #tpu.memory_space<semaphore_mem>>) src(%dma_wait3A_92 : memref<64x128xf32, #tpu.memory_space<hbm>>) dst(%arg7 : memref<64x128xf32, #tpu.memory_space<vmem>>)
      %dma_start3A_93 = arith.constant 3 : i32
      %dma_start3A_94 = arith.constant 0 : i32
      %dma_start3A_95 = tpu.memref_slice %arg10[%dma_start3A_93, %dma_start3A_94] : memref<8x64xi32, #tpu.memory_space<vmem>> -> memref<1x64xi32, #tpu.memory_space<vmem>>
      %dma_start3A_96 = tpu.memref_squeeze %dma_start3A_95 : memref<1x64xi32, #tpu.memory_space<vmem>> -> memref<64xi32, #tpu.memory_space<vmem>>
      %dma_start3A_97 = arith.constant 0 : i32
      %dma_start3A_98 = arith.constant 0 : i32
      %dma_start3A_99 = tpu.memref_slice %arg12[%dma_start3A_97, %dma_start3A_98] : memref<10240x128xf32, #tpu.memory_space<vmem_shared>> -> memref<10240x128xf32, #tpu.memory_space<vmem_shared>>
      tpu.enqueue_indirect_dma source(%arg7 : memref<64x128xf32, #tpu.memory_space<vmem>>) target(%dma_start3A_99 : memref<10240x128xf32, #tpu.memory_space<vmem_shared>>) offsets(%dma_start3A_96 : memref<64xi32, #tpu.memory_space<vmem>>) semaphore(%arg20 : memref<!tpu.dma_semaphore, #tpu.memory_space<semaphore_mem>>) {add = true}
      %dma_wait3A_100 = arith.constant 0 : i32
      %dma_wait3A_101 = arith.constant 0 : i32
      %dma_wait3A_102 = tpu.memref_slice %arg2[%dma_wait3A_100, %dma_wait3A_101] : memref<10000x128xf32, #tpu.memory_space<hbm>> -> memref<64x128xf32, #tpu.memory_space<hbm>>
      %dma_wait3A_103 = arith.constant 0 : i32
      %dma_wait3A_104 = arith.constant 0 : i32
      %dma_wait3A_105 = tpu.memref_slice %arg2[%dma_wait3A_103, %dma_wait3A_104] : memref<10000x128xf32, #tpu.memory_space<hbm>> -> memref<64x128xf32, #tpu.memory_space<hbm>>
      tpu.wait_dma2 semaphore(%arg17 : memref<!tpu.dma_semaphore, #tpu.memory_space<semaphore_mem>>) src(%dma_wait3A_105 : memref<64x128xf32, #tpu.memory_space<hbm>>) dst(%arg8 : memref<64x128xf32, #tpu.memory_space<vmem>>)
      %dma_start3A_106 = arith.constant 5 : i32
      %dma_start3A_107 = arith.constant 0 : i32
      %dma_start3A_108 = tpu.memref_slice %arg10[%dma_start3A_106, %dma_start3A_107] : memref<8x64xi32, #tpu.memory_space<vmem>> -> memref<1x64xi32, #tpu.memory_space<vmem>>
      %dma_start3A_109 = tpu.memref_squeeze %dma_start3A_108 : memref<1x64xi32, #tpu.memory_space<vmem>> -> memref<64xi32, #tpu.memory_space<vmem>>
      %dma_start3A_110 = arith.constant 0 : i32
      %dma_start3A_111 = arith.constant 0 : i32
      %dma_start3A_112 = tpu.memref_slice %arg12[%dma_start3A_110, %dma_start3A_111] : memref<10240x128xf32, #tpu.memory_space<vmem_shared>> -> memref<10240x128xf32, #tpu.memory_space<vmem_shared>>
      tpu.enqueue_indirect_dma source(%arg8 : memref<64x128xf32, #tpu.memory_space<vmem>>) target(%dma_start3A_112 : memref<10240x128xf32, #tpu.memory_space<vmem_shared>>) offsets(%dma_start3A_109 : memref<64xi32, #tpu.memory_space<vmem>>) semaphore(%arg21 : memref<!tpu.dma_semaphore, #tpu.memory_space<semaphore_mem>>) {add = true}
      %dma_wait3A_113 = arith.constant 0 : i32
      %dma_wait3A_114 = arith.constant 0 : i32
      %dma_wait3A_115 = tpu.memref_slice %arg2[%dma_wait3A_113, %dma_wait3A_114] : memref<10000x128xf32, #tpu.memory_space<hbm>> -> memref<64x128xf32, #tpu.memory_space<hbm>>
      %dma_wait3A_116 = arith.constant 0 : i32
      %dma_wait3A_117 = arith.constant 0 : i32
      %dma_wait3A_118 = tpu.memref_slice %arg2[%dma_wait3A_116, %dma_wait3A_117] : memref<10000x128xf32, #tpu.memory_space<hbm>> -> memref<64x128xf32, #tpu.memory_space<hbm>>
      tpu.wait_dma2 semaphore(%arg18 : memref<!tpu.dma_semaphore, #tpu.memory_space<semaphore_mem>>) src(%dma_wait3A_118 : memref<64x128xf32, #tpu.memory_space<hbm>>) dst(%arg9 : memref<64x128xf32, #tpu.memory_space<vmem>>)
      %dma_start3A_119 = arith.constant 7 : i32
      %dma_start3A_120 = arith.constant 0 : i32
      %dma_start3A_121 = tpu.memref_slice %arg10[%dma_start3A_119, %dma_start3A_120] : memref<8x64xi32, #tpu.memory_space<vmem>> -> memref<1x64xi32, #tpu.memory_space<vmem>>
      %dma_start3A_122 = tpu.memref_squeeze %dma_start3A_121 : memref<1x64xi32, #tpu.memory_space<vmem>> -> memref<64xi32, #tpu.memory_space<vmem>>
      %dma_start3A_123 = arith.constant 0 : i32
      %dma_start3A_124 = arith.constant 0 : i32
      %dma_start3A_125 = tpu.memref_slice %arg12[%dma_start3A_123, %dma_start3A_124] : memref<10240x128xf32, #tpu.memory_space<vmem_shared>> -> memref<10240x128xf32, #tpu.memory_space<vmem_shared>>
      tpu.enqueue_indirect_dma source(%arg9 : memref<64x128xf32, #tpu.memory_space<vmem>>) target(%dma_start3A_125 : memref<10240x128xf32, #tpu.memory_space<vmem_shared>>) offsets(%dma_start3A_122 : memref<64xi32, #tpu.memory_space<vmem>>) semaphore(%arg22 : memref<!tpu.dma_semaphore, #tpu.memory_space<semaphore_mem>>) {add = true}
      %lt3A = arith.constant 39 : i32
      %lt3A_126 = arith.cmpi slt, %mul3A_73, %lt3A : i32
      %convert_element_type3A = arith.extui %lt3A_126 : i1 to i32
      %cond3A = arith.constant 0 : i32
      %cond3A_127 = arith.cmpi ne, %convert_element_type3A, %cond3A : i32
      scf.if %cond3A_127 {
        %dma_wait3A_295 = arith.constant 0 : i32
        %dma_wait3A_296 = arith.constant 0 : i32
        %dma_wait3A_297 = arith.constant 0 : i32
        %dma_wait3A_298 = tpu.memref_slice %arg3[%dma_wait3A_295, %dma_wait3A_296, %dma_wait3A_297] : memref<1280x8x64xi32, #tpu.memory_space<hbm>> -> memref<1x8x64xi32, #tpu.memory_space<hbm>>
        %dma_wait3A_299 = tpu.memref_squeeze %dma_wait3A_298 : memref<1x8x64xi32, #tpu.memory_space<hbm>> -> memref<8x64xi32, #tpu.memory_space<hbm>>
        %dma_wait3A_300 = arith.constant 0 : i32
        %dma_wait3A_301 = arith.constant 0 : i32
        %dma_wait3A_302 = tpu.memref_slice %arg3[%dma_wait3A_295, %dma_wait3A_300, %dma_wait3A_301] : memref<1280x8x64xi32, #tpu.memory_space<hbm>> -> memref<1x8x64xi32, #tpu.memory_space<hbm>>
        %dma_wait3A_303 = tpu.memref_squeeze %dma_wait3A_302 : memref<1x8x64xi32, #tpu.memory_space<hbm>> -> memref<8x64xi32, #tpu.memory_space<hbm>>
        tpu.wait_dma2 semaphore(%arg13 : memref<!tpu.dma_semaphore, #tpu.memory_space<semaphore_mem>>) src(%dma_wait3A_303 : memref<8x64xi32, #tpu.memory_space<hbm>>) dst(%arg11 : memref<8x64xi32, #tpu.memory_space<vmem>>)
      } else {
      }
      %dma_wait3A_128 = arith.constant 1 : i32
      %dma_wait3A_129 = arith.constant 0 : i32
      %dma_wait3A_130 = tpu.memref_slice %arg10[%dma_wait3A_128, %dma_wait3A_129] : memref<8x64xi32, #tpu.memory_space<vmem>> -> memref<1x64xi32, #tpu.memory_space<vmem>>
      %dma_wait3A_131 = tpu.memref_squeeze %dma_wait3A_130 : memref<1x64xi32, #tpu.memory_space<vmem>> -> memref<64xi32, #tpu.memory_space<vmem>>
      %dma_wait3A_132 = arith.constant 0 : i32
      %dma_wait3A_133 = arith.constant 0 : i32
      %dma_wait3A_134 = tpu.memref_slice %arg12[%dma_wait3A_132, %dma_wait3A_133] : memref<10240x128xf32, #tpu.memory_space<vmem_shared>> -> memref<10240x128xf32, #tpu.memory_space<vmem_shared>>
      tpu.wait_indirect_dma semaphore(%arg19 : memref<!tpu.dma_semaphore, #tpu.memory_space<semaphore_mem>>) src(%arg6 : memref<64x128xf32, #tpu.memory_space<vmem>>) dst(%dma_wait3A_134 : memref<10240x128xf32, #tpu.memory_space<vmem_shared>>)
      %lt3A_135 = arith.constant 39 : i32
      %lt3A_136 = arith.cmpi slt, %mul3A_73, %lt3A_135 : i32
      %convert_element_type3A_137 = arith.extui %lt3A_136 : i1 to i32
      %cond3A_138 = arith.constant 0 : i32
      %cond3A_139 = arith.cmpi ne, %convert_element_type3A_137, %cond3A_138 : i32
      scf.if %cond3A_139 {
        %dma_start3A_295 = arith.constant 0 : i32
        %dma_start3A_296 = arith.constant 0 : i32
        %dma_start3A_297 = tpu.memref_slice %arg11[%dma_start3A_295, %dma_start3A_296] : memref<8x64xi32, #tpu.memory_space<vmem>> -> memref<1x64xi32, #tpu.memory_space<vmem>>
        %dma_start3A_298 = tpu.memref_squeeze %dma_start3A_297 : memref<1x64xi32, #tpu.memory_space<vmem>> -> memref<64xi32, #tpu.memory_space<vmem>>
        %dma_start3A_299 = arith.constant 0 : i32
        %dma_start3A_300 = arith.constant 0 : i32
        %dma_start3A_301 = tpu.memref_slice %arg2[%dma_start3A_299, %dma_start3A_300] : memref<10000x128xf32, #tpu.memory_space<hbm>> -> memref<10000x128xf32, #tpu.memory_space<hbm>>
        tpu.enqueue_indirect_dma source(%dma_start3A_301 : memref<10000x128xf32, #tpu.memory_space<hbm>>) target(%arg6 : memref<64x128xf32, #tpu.memory_space<vmem>>) offsets(%dma_start3A_298 : memref<64xi32, #tpu.memory_space<vmem>>) semaphore(%arg15 : memref<!tpu.dma_semaphore, #tpu.memory_space<semaphore_mem>>)
      } else {
      }
      %dma_wait3A_140 = arith.constant 3 : i32
      %dma_wait3A_141 = arith.constant 0 : i32
      %dma_wait3A_142 = tpu.memref_slice %arg10[%dma_wait3A_140, %dma_wait3A_141] : memref<8x64xi32, #tpu.memory_space<vmem>> -> memref<1x64xi32, #tpu.memory_space<vmem>>
      %dma_wait3A_143 = tpu.memref_squeeze %dma_wait3A_142 : memref<1x64xi32, #tpu.memory_space<vmem>> -> memref<64xi32, #tpu.memory_space<vmem>>
      %dma_wait3A_144 = arith.constant 0 : i32
      %dma_wait3A_145 = arith.constant 0 : i32
      %dma_wait3A_146 = tpu.memref_slice %arg12[%dma_wait3A_144, %dma_wait3A_145] : memref<10240x128xf32, #tpu.memory_space<vmem_shared>> -> memref<10240x128xf32, #tpu.memory_space<vmem_shared>>
      tpu.wait_indirect_dma semaphore(%arg20 : memref<!tpu.dma_semaphore, #tpu.memory_space<semaphore_mem>>) src(%arg7 : memref<64x128xf32, #tpu.memory_space<vmem>>) dst(%dma_wait3A_146 : memref<10240x128xf32, #tpu.memory_space<vmem_shared>>)
      %lt3A_147 = arith.constant 39 : i32
      %lt3A_148 = arith.cmpi slt, %mul3A_73, %lt3A_147 : i32
      %convert_element_type3A_149 = arith.extui %lt3A_148 : i1 to i32
      %cond3A_150 = arith.constant 0 : i32
      %cond3A_151 = arith.cmpi ne, %convert_element_type3A_149, %cond3A_150 : i32
      scf.if %cond3A_151 {
        %dma_start3A_295 = arith.constant 2 : i32
        %dma_start3A_296 = arith.constant 0 : i32
        %dma_start3A_297 = tpu.memref_slice %arg11[%dma_start3A_295, %dma_start3A_296] : memref<8x64xi32, #tpu.memory_space<vmem>> -> memref<1x64xi32, #tpu.memory_space<vmem>>
        %dma_start3A_298 = tpu.memref_squeeze %dma_start3A_297 : memref<1x64xi32, #tpu.memory_space<vmem>> -> memref<64xi32, #tpu.memory_space<vmem>>
        %dma_start3A_299 = arith.constant 0 : i32
        %dma_start3A_300 = arith.constant 0 : i32
        %dma_start3A_301 = tpu.memref_slice %arg2[%dma_start3A_299, %dma_start3A_300] : memref<10000x128xf32, #tpu.memory_space<hbm>> -> memref<10000x128xf32, #tpu.memory_space<hbm>>
        tpu.enqueue_indirect_dma source(%dma_start3A_301 : memref<10000x128xf32, #tpu.memory_space<hbm>>) target(%arg7 : memref<64x128xf32, #tpu.memory_space<vmem>>) offsets(%dma_start3A_298 : memref<64xi32, #tpu.memory_space<vmem>>) semaphore(%arg16 : memref<!tpu.dma_semaphore, #tpu.memory_space<semaphore_mem>>)
      } else {
      }
      %dma_wait3A_152 = arith.constant 5 : i32
      %dma_wait3A_153 = arith.constant 0 : i32
      %dma_wait3A_154 = tpu.memref_slice %arg10[%dma_wait3A_152, %dma_wait3A_153] : memref<8x64xi32, #tpu.memory_space<vmem>> -> memref<1x64xi32, #tpu.memory_space<vmem>>
      %dma_wait3A_155 = tpu.memref_squeeze %dma_wait3A_154 : memref<1x64xi32, #tpu.memory_space<vmem>> -> memref<64xi32, #tpu.memory_space<vmem>>
      %dma_wait3A_156 = arith.constant 0 : i32
      %dma_wait3A_157 = arith.constant 0 : i32
      %dma_wait3A_158 = tpu.memref_slice %arg12[%dma_wait3A_156, %dma_wait3A_157] : memref<10240x128xf32, #tpu.memory_space<vmem_shared>> -> memref<10240x128xf32, #tpu.memory_space<vmem_shared>>
      tpu.wait_indirect_dma semaphore(%arg21 : memref<!tpu.dma_semaphore, #tpu.memory_space<semaphore_mem>>) src(%arg8 : memref<64x128xf32, #tpu.memory_space<vmem>>) dst(%dma_wait3A_158 : memref<10240x128xf32, #tpu.memory_space<vmem_shared>>)
      %lt3A_159 = arith.constant 39 : i32
      %lt3A_160 = arith.cmpi slt, %mul3A_73, %lt3A_159 : i32
      %convert_element_type3A_161 = arith.extui %lt3A_160 : i1 to i32
      %cond3A_162 = arith.constant 0 : i32
      %cond3A_163 = arith.cmpi ne, %convert_element_type3A_161, %cond3A_162 : i32
      scf.if %cond3A_163 {
        %dma_start3A_295 = arith.constant 4 : i32
        %dma_start3A_296 = arith.constant 0 : i32
        %dma_start3A_297 = tpu.memref_slice %arg11[%dma_start3A_295, %dma_start3A_296] : memref<8x64xi32, #tpu.memory_space<vmem>> -> memref<1x64xi32, #tpu.memory_space<vmem>>
        %dma_start3A_298 = tpu.memref_squeeze %dma_start3A_297 : memref<1x64xi32, #tpu.memory_space<vmem>> -> memref<64xi32, #tpu.memory_space<vmem>>
        %dma_start3A_299 = arith.constant 0 : i32
        %dma_start3A_300 = arith.constant 0 : i32
        %dma_start3A_301 = tpu.memref_slice %arg2[%dma_start3A_299, %dma_start3A_300] : memref<10000x128xf32, #tpu.memory_space<hbm>> -> memref<10000x128xf32, #tpu.memory_space<hbm>>
        tpu.enqueue_indirect_dma source(%dma_start3A_301 : memref<10000x128xf32, #tpu.memory_space<hbm>>) target(%arg8 : memref<64x128xf32, #tpu.memory_space<vmem>>) offsets(%dma_start3A_298 : memref<64xi32, #tpu.memory_space<vmem>>) semaphore(%arg17 : memref<!tpu.dma_semaphore, #tpu.memory_space<semaphore_mem>>)
      } else {
      }
      %dma_wait3A_164 = arith.constant 7 : i32
      %dma_wait3A_165 = arith.constant 0 : i32
      %dma_wait3A_166 = tpu.memref_slice %arg10[%dma_wait3A_164, %dma_wait3A_165] : memref<8x64xi32, #tpu.memory_space<vmem>> -> memref<1x64xi32, #tpu.memory_space<vmem>>
      %dma_wait3A_167 = tpu.memref_squeeze %dma_wait3A_166 : memref<1x64xi32, #tpu.memory_space<vmem>> -> memref<64xi32, #tpu.memory_space<vmem>>
      %dma_wait3A_168 = arith.constant 0 : i32
      %dma_wait3A_169 = arith.constant 0 : i32
      %dma_wait3A_170 = tpu.memref_slice %arg12[%dma_wait3A_168, %dma_wait3A_169] : memref<10240x128xf32, #tpu.memory_space<vmem_shared>> -> memref<10240x128xf32, #tpu.memory_space<vmem_shared>>
      tpu.wait_indirect_dma semaphore(%arg22 : memref<!tpu.dma_semaphore, #tpu.memory_space<semaphore_mem>>) src(%arg9 : memref<64x128xf32, #tpu.memory_space<vmem>>) dst(%dma_wait3A_170 : memref<10240x128xf32, #tpu.memory_space<vmem_shared>>)
      %lt3A_171 = arith.constant 39 : i32
      %lt3A_172 = arith.cmpi slt, %mul3A_73, %lt3A_171 : i32
      %convert_element_type3A_173 = arith.extui %lt3A_172 : i1 to i32
      %cond3A_174 = arith.constant 0 : i32
      %cond3A_175 = arith.cmpi ne, %convert_element_type3A_173, %cond3A_174 : i32
      scf.if %cond3A_175 {
        %dma_start3A_295 = arith.constant 6 : i32
        %dma_start3A_296 = arith.constant 0 : i32
        %dma_start3A_297 = tpu.memref_slice %arg11[%dma_start3A_295, %dma_start3A_296] : memref<8x64xi32, #tpu.memory_space<vmem>> -> memref<1x64xi32, #tpu.memory_space<vmem>>
        %dma_start3A_298 = tpu.memref_squeeze %dma_start3A_297 : memref<1x64xi32, #tpu.memory_space<vmem>> -> memref<64xi32, #tpu.memory_space<vmem>>
        %dma_start3A_299 = arith.constant 0 : i32
        %dma_start3A_300 = arith.constant 0 : i32
        %dma_start3A_301 = tpu.memref_slice %arg2[%dma_start3A_299, %dma_start3A_300] : memref<10000x128xf32, #tpu.memory_space<hbm>> -> memref<10000x128xf32, #tpu.memory_space<hbm>>
        tpu.enqueue_indirect_dma source(%dma_start3A_301 : memref<10000x128xf32, #tpu.memory_space<hbm>>) target(%arg9 : memref<64x128xf32, #tpu.memory_space<vmem>>) offsets(%dma_start3A_298 : memref<64xi32, #tpu.memory_space<vmem>>) semaphore(%arg18 : memref<!tpu.dma_semaphore, #tpu.memory_space<semaphore_mem>>)
      } else {
      }
      %lt3A_176 = arith.constant 38 : i32
      %lt3A_177 = arith.cmpi slt, %mul3A_73, %lt3A_176 : i32
      %convert_element_type3A_178 = arith.extui %lt3A_177 : i1 to i32
      %cond3A_179 = arith.constant 0 : i32
      %cond3A_180 = arith.cmpi ne, %convert_element_type3A_178, %cond3A_179 : i32
      scf.if %cond3A_180 {
        %add3A_295 = arith.addi %mul3A_2, %mul3A_73 : i32
        %add3A_296 = arith.constant 2 : i32
        %add3A_297 = arith.addi %add3A_295, %add3A_296 : i32
        %dma_start3A_298 = arith.constant 0 : i32
        %dma_start3A_299 = arith.constant 0 : i32
        %dma_start3A_300 = tpu.memref_slice %arg3[%add3A_297, %dma_start3A_298, %dma_start3A_299] : memref<1280x8x64xi32, #tpu.memory_space<hbm>> -> memref<1x8x64xi32, #tpu.memory_space<hbm>>
        %dma_start3A_301 = tpu.memref_squeeze %dma_start3A_300 : memref<1x8x64xi32, #tpu.memory_space<hbm>> -> memref<8x64xi32, #tpu.memory_space<hbm>>
        %dma_start3A_302 = arith.constant 0 : i32
        %dma_start3A_303 = arith.constant 0 : i32
        %dma_start3A_304 = tpu.memref_slice %arg3[%add3A_297, %dma_start3A_302, %dma_start3A_303] : memref<1280x8x64xi32, #tpu.memory_space<hbm>> -> memref<1x8x64xi32, #tpu.memory_space<hbm>>
        %dma_start3A_305 = tpu.memref_squeeze %dma_start3A_304 : memref<1x8x64xi32, #tpu.memory_space<hbm>> -> memref<8x64xi32, #tpu.memory_space<hbm>>
        tpu.enqueue_dma source(%dma_start3A_305 : memref<8x64xi32, #tpu.memory_space<hbm>>) target(%arg10 : memref<8x64xi32, #tpu.memory_space<vmem>>) target_semaphore(%arg13 : memref<!tpu.dma_semaphore, #tpu.memory_space<semaphore_mem>>)
      } else {
      }
      %mul3A_181 = arith.constant 2 : i32
      %mul3A_182 = arith.muli %mul3A_181, %scan3A_71 : i32
      %add3A_183 = arith.constant 1 : i32
      %add3A_184 = arith.addi %mul3A_182, %add3A_183 : i32
      %dma_wait3A_185 = arith.constant 0 : i32
      %dma_wait3A_186 = arith.constant 0 : i32
      %dma_wait3A_187 = tpu.memref_slice %arg2[%dma_wait3A_185, %dma_wait3A_186] : memref<10000x128xf32, #tpu.memory_space<hbm>> -> memref<64x128xf32, #tpu.memory_space<hbm>>
      %dma_wait3A_188 = arith.constant 0 : i32
      %dma_wait3A_189 = arith.constant 0 : i32
      %dma_wait3A_190 = tpu.memref_slice %arg2[%dma_wait3A_188, %dma_wait3A_189] : memref<10000x128xf32, #tpu.memory_space<hbm>> -> memref<64x128xf32, #tpu.memory_space<hbm>>
      tpu.wait_dma2 semaphore(%arg15 : memref<!tpu.dma_semaphore, #tpu.memory_space<semaphore_mem>>) src(%dma_wait3A_190 : memref<64x128xf32, #tpu.memory_space<hbm>>) dst(%arg6 : memref<64x128xf32, #tpu.memory_space<vmem>>)
      %dma_start3A_191 = arith.constant 1 : i32
      %dma_start3A_192 = arith.constant 0 : i32
      %dma_start3A_193 = tpu.memref_slice %arg11[%dma_start3A_191, %dma_start3A_192] : memref<8x64xi32, #tpu.memory_space<vmem>> -> memref<1x64xi32, #tpu.memory_space<vmem>>
      %dma_start3A_194 = tpu.memref_squeeze %dma_start3A_193 : memref<1x64xi32, #tpu.memory_space<vmem>> -> memref<64xi32, #tpu.memory_space<vmem>>
      %dma_start3A_195 = arith.constant 0 : i32
      %dma_start3A_196 = arith.constant 0 : i32
      %dma_start3A_197 = tpu.memref_slice %arg12[%dma_start3A_195, %dma_start3A_196] : memref<10240x128xf32, #tpu.memory_space<vmem_shared>> -> memref<10240x128xf32, #tpu.memory_space<vmem_shared>>
      tpu.enqueue_indirect_dma source(%arg6 : memref<64x128xf32, #tpu.memory_space<vmem>>) target(%dma_start3A_197 : memref<10240x128xf32, #tpu.memory_space<vmem_shared>>) offsets(%dma_start3A_194 : memref<64xi32, #tpu.memory_space<vmem>>) semaphore(%arg19 : memref<!tpu.dma_semaphore, #tpu.memory_space<semaphore_mem>>) {add = true}
      %dma_wait3A_198 = arith.constant 0 : i32
      %dma_wait3A_199 = arith.constant 0 : i32
      %dma_wait3A_200 = tpu.memref_slice %arg2[%dma_wait3A_198, %dma_wait3A_199] : memref<10000x128xf32, #tpu.memory_space<hbm>> -> memref<64x128xf32, #tpu.memory_space<hbm>>
      %dma_wait3A_201 = arith.constant 0 : i32
      %dma_wait3A_202 = arith.constant 0 : i32
      %dma_wait3A_203 = tpu.memref_slice %arg2[%dma_wait3A_201, %dma_wait3A_202] : memref<10000x128xf32, #tpu.memory_space<hbm>> -> memref<64x128xf32, #tpu.memory_space<hbm>>
      tpu.wait_dma2 semaphore(%arg16 : memref<!tpu.dma_semaphore, #tpu.memory_space<semaphore_mem>>) src(%dma_wait3A_203 : memref<64x128xf32, #tpu.memory_space<hbm>>) dst(%arg7 : memref<64x128xf32, #tpu.memory_space<vmem>>)
      %dma_start3A_204 = arith.constant 3 : i32
      %dma_start3A_205 = arith.constant 0 : i32
      %dma_start3A_206 = tpu.memref_slice %arg11[%dma_start3A_204, %dma_start3A_205] : memref<8x64xi32, #tpu.memory_space<vmem>> -> memref<1x64xi32, #tpu.memory_space<vmem>>
      %dma_start3A_207 = tpu.memref_squeeze %dma_start3A_206 : memref<1x64xi32, #tpu.memory_space<vmem>> -> memref<64xi32, #tpu.memory_space<vmem>>
      %dma_start3A_208 = arith.constant 0 : i32
      %dma_start3A_209 = arith.constant 0 : i32
      %dma_start3A_210 = tpu.memref_slice %arg12[%dma_start3A_208, %dma_start3A_209] : memref<10240x128xf32, #tpu.memory_space<vmem_shared>> -> memref<10240x128xf32, #tpu.memory_space<vmem_shared>>
      tpu.enqueue_indirect_dma source(%arg7 : memref<64x128xf32, #tpu.memory_space<vmem>>) target(%dma_start3A_210 : memref<10240x128xf32, #tpu.memory_space<vmem_shared>>) offsets(%dma_start3A_207 : memref<64xi32, #tpu.memory_space<vmem>>) semaphore(%arg20 : memref<!tpu.dma_semaphore, #tpu.memory_space<semaphore_mem>>) {add = true}
      %dma_wait3A_211 = arith.constant 0 : i32
      %dma_wait3A_212 = arith.constant 0 : i32
      %dma_wait3A_213 = tpu.memref_slice %arg2[%dma_wait3A_211, %dma_wait3A_212] : memref<10000x128xf32, #tpu.memory_space<hbm>> -> memref<64x128xf32, #tpu.memory_space<hbm>>
      %dma_wait3A_214 = arith.constant 0 : i32
      %dma_wait3A_215 = arith.constant 0 : i32
      %dma_wait3A_216 = tpu.memref_slice %arg2[%dma_wait3A_214, %dma_wait3A_215] : memref<10000x128xf32, #tpu.memory_space<hbm>> -> memref<64x128xf32, #tpu.memory_space<hbm>>
      tpu.wait_dma2 semaphore(%arg17 : memref<!tpu.dma_semaphore, #tpu.memory_space<semaphore_mem>>) src(%dma_wait3A_216 : memref<64x128xf32, #tpu.memory_space<hbm>>) dst(%arg8 : memref<64x128xf32, #tpu.memory_space<vmem>>)
      %dma_start3A_217 = arith.constant 5 : i32
      %dma_start3A_218 = arith.constant 0 : i32
      %dma_start3A_219 = tpu.memref_slice %arg11[%dma_start3A_217, %dma_start3A_218] : memref<8x64xi32, #tpu.memory_space<vmem>> -> memref<1x64xi32, #tpu.memory_space<vmem>>
      %dma_start3A_220 = tpu.memref_squeeze %dma_start3A_219 : memref<1x64xi32, #tpu.memory_space<vmem>> -> memref<64xi32, #tpu.memory_space<vmem>>
      %dma_start3A_221 = arith.constant 0 : i32
      %dma_start3A_222 = arith.constant 0 : i32
      %dma_start3A_223 = tpu.memref_slice %arg12[%dma_start3A_221, %dma_start3A_222] : memref<10240x128xf32, #tpu.memory_space<vmem_shared>> -> memref<10240x128xf32, #tpu.memory_space<vmem_shared>>
      tpu.enqueue_indirect_dma source(%arg8 : memref<64x128xf32, #tpu.memory_space<vmem>>) target(%dma_start3A_223 : memref<10240x128xf32, #tpu.memory_space<vmem_shared>>) offsets(%dma_start3A_220 : memref<64xi32, #tpu.memory_space<vmem>>) semaphore(%arg21 : memref<!tpu.dma_semaphore, #tpu.memory_space<semaphore_mem>>) {add = true}
      %dma_wait3A_224 = arith.constant 0 : i32
      %dma_wait3A_225 = arith.constant 0 : i32
      %dma_wait3A_226 = tpu.memref_slice %arg2[%dma_wait3A_224, %dma_wait3A_225] : memref<10000x128xf32, #tpu.memory_space<hbm>> -> memref<64x128xf32, #tpu.memory_space<hbm>>
      %dma_wait3A_227 = arith.constant 0 : i32
      %dma_wait3A_228 = arith.constant 0 : i32
      %dma_wait3A_229 = tpu.memref_slice %arg2[%dma_wait3A_227, %dma_wait3A_228] : memref<10000x128xf32, #tpu.memory_space<hbm>> -> memref<64x128xf32, #tpu.memory_space<hbm>>
      tpu.wait_dma2 semaphore(%arg18 : memref<!tpu.dma_semaphore, #tpu.memory_space<semaphore_mem>>) src(%dma_wait3A_229 : memref<64x128xf32, #tpu.memory_space<hbm>>) dst(%arg9 : memref<64x128xf32, #tpu.memory_space<vmem>>)
      %dma_start3A_230 = arith.constant 7 : i32
      %dma_start3A_231 = arith.constant 0 : i32
      %dma_start3A_232 = tpu.memref_slice %arg11[%dma_start3A_230, %dma_start3A_231] : memref<8x64xi32, #tpu.memory_space<vmem>> -> memref<1x64xi32, #tpu.memory_space<vmem>>
      %dma_start3A_233 = tpu.memref_squeeze %dma_start3A_232 : memref<1x64xi32, #tpu.memory_space<vmem>> -> memref<64xi32, #tpu.memory_space<vmem>>
      %dma_start3A_234 = arith.constant 0 : i32
      %dma_start3A_235 = arith.constant 0 : i32
      %dma_start3A_236 = tpu.memref_slice %arg12[%dma_start3A_234, %dma_start3A_235] : memref<10240x128xf32, #tpu.memory_space<vmem_shared>> -> memref<10240x128xf32, #tpu.memory_space<vmem_shared>>
      tpu.enqueue_indirect_dma source(%arg9 : memref<64x128xf32, #tpu.memory_space<vmem>>) target(%dma_start3A_236 : memref<10240x128xf32, #tpu.memory_space<vmem_shared>>) offsets(%dma_start3A_233 : memref<64xi32, #tpu.memory_space<vmem>>) semaphore(%arg22 : memref<!tpu.dma_semaphore, #tpu.memory_space<semaphore_mem>>) {add = true}
      %lt3A_237 = arith.constant 39 : i32
      %lt3A_238 = arith.cmpi slt, %add3A_184, %lt3A_237 : i32
      %convert_element_type3A_239 = arith.extui %lt3A_238 : i1 to i32
      %cond3A_240 = arith.constant 0 : i32
      %cond3A_241 = arith.cmpi ne, %convert_element_type3A_239, %cond3A_240 : i32
      scf.if %cond3A_241 {
        %dma_wait3A_295 = arith.constant 0 : i32
        %dma_wait3A_296 = arith.constant 0 : i32
        %dma_wait3A_297 = arith.constant 0 : i32
        %dma_wait3A_298 = tpu.memref_slice %arg3[%dma_wait3A_295, %dma_wait3A_296, %dma_wait3A_297] : memref<1280x8x64xi32, #tpu.memory_space<hbm>> -> memref<1x8x64xi32, #tpu.memory_space<hbm>>
        %dma_wait3A_299 = tpu.memref_squeeze %dma_wait3A_298 : memref<1x8x64xi32, #tpu.memory_space<hbm>> -> memref<8x64xi32, #tpu.memory_space<hbm>>
        %dma_wait3A_300 = arith.constant 0 : i32
        %dma_wait3A_301 = arith.constant 0 : i32
        %dma_wait3A_302 = tpu.memref_slice %arg3[%dma_wait3A_295, %dma_wait3A_300, %dma_wait3A_301] : memref<1280x8x64xi32, #tpu.memory_space<hbm>> -> memref<1x8x64xi32, #tpu.memory_space<hbm>>
        %dma_wait3A_303 = tpu.memref_squeeze %dma_wait3A_302 : memref<1x8x64xi32, #tpu.memory_space<hbm>> -> memref<8x64xi32, #tpu.memory_space<hbm>>
        tpu.wait_dma2 semaphore(%arg13 : memref<!tpu.dma_semaphore, #tpu.memory_space<semaphore_mem>>) src(%dma_wait3A_303 : memref<8x64xi32, #tpu.memory_space<hbm>>) dst(%arg10 : memref<8x64xi32, #tpu.memory_space<vmem>>)
      } else {
      }
      %dma_wait3A_242 = arith.constant 1 : i32
      %dma_wait3A_243 = arith.constant 0 : i32
      %dma_wait3A_244 = tpu.memref_slice %arg11[%dma_wait3A_242, %dma_wait3A_243] : memref<8x64xi32, #tpu.memory_space<vmem>> -> memref<1x64xi32, #tpu.memory_space<vmem>>
      %dma_wait3A_245 = tpu.memref_squeeze %dma_wait3A_244 : memref<1x64xi32, #tpu.memory_space<vmem>> -> memref<64xi32, #tpu.memory_space<vmem>>
      %dma_wait3A_246 = arith.constant 0 : i32
      %dma_wait3A_247 = arith.constant 0 : i32
      %dma_wait3A_248 = tpu.memref_slice %arg12[%dma_wait3A_246, %dma_wait3A_247] : memref<10240x128xf32, #tpu.memory_space<vmem_shared>> -> memref<10240x128xf32, #tpu.memory_space<vmem_shared>>
      tpu.wait_indirect_dma semaphore(%arg19 : memref<!tpu.dma_semaphore, #tpu.memory_space<semaphore_mem>>) src(%arg6 : memref<64x128xf32, #tpu.memory_space<vmem>>) dst(%dma_wait3A_248 : memref<10240x128xf32, #tpu.memory_space<vmem_shared>>)
      %lt3A_249 = arith.constant 39 : i32
      %lt3A_250 = arith.cmpi slt, %add3A_184, %lt3A_249 : i32
      %convert_element_type3A_251 = arith.extui %lt3A_250 : i1 to i32
      %cond3A_252 = arith.constant 0 : i32
      %cond3A_253 = arith.cmpi ne, %convert_element_type3A_251, %cond3A_252 : i32
      scf.if %cond3A_253 {
        %dma_start3A_295 = arith.constant 0 : i32
        %dma_start3A_296 = arith.constant 0 : i32
        %dma_start3A_297 = tpu.memref_slice %arg10[%dma_start3A_295, %dma_start3A_296] : memref<8x64xi32, #tpu.memory_space<vmem>> -> memref<1x64xi32, #tpu.memory_space<vmem>>
        %dma_start3A_298 = tpu.memref_squeeze %dma_start3A_297 : memref<1x64xi32, #tpu.memory_space<vmem>> -> memref<64xi32, #tpu.memory_space<vmem>>
        %dma_start3A_299 = arith.constant 0 : i32
        %dma_start3A_300 = arith.constant 0 : i32
        %dma_start3A_301 = tpu.memref_slice %arg2[%dma_start3A_299, %dma_start3A_300] : memref<10000x128xf32, #tpu.memory_space<hbm>> -> memref<10000x128xf32, #tpu.memory_space<hbm>>
        tpu.enqueue_indirect_dma source(%dma_start3A_301 : memref<10000x128xf32, #tpu.memory_space<hbm>>) target(%arg6 : memref<64x128xf32, #tpu.memory_space<vmem>>) offsets(%dma_start3A_298 : memref<64xi32, #tpu.memory_space<vmem>>) semaphore(%arg15 : memref<!tpu.dma_semaphore, #tpu.memory_space<semaphore_mem>>)
      } else {
      }
      %dma_wait3A_254 = arith.constant 3 : i32
      %dma_wait3A_255 = arith.constant 0 : i32
      %dma_wait3A_256 = tpu.memref_slice %arg11[%dma_wait3A_254, %dma_wait3A_255] : memref<8x64xi32, #tpu.memory_space<vmem>> -> memref<1x64xi32, #tpu.memory_space<vmem>>
      %dma_wait3A_257 = tpu.memref_squeeze %dma_wait3A_256 : memref<1x64xi32, #tpu.memory_space<vmem>> -> memref<64xi32, #tpu.memory_space<vmem>>
      %dma_wait3A_258 = arith.constant 0 : i32
      %dma_wait3A_259 = arith.constant 0 : i32
      %dma_wait3A_260 = tpu.memref_slice %arg12[%dma_wait3A_258, %dma_wait3A_259] : memref<10240x128xf32, #tpu.memory_space<vmem_shared>> -> memref<10240x128xf32, #tpu.memory_space<vmem_shared>>
      tpu.wait_indirect_dma semaphore(%arg20 : memref<!tpu.dma_semaphore, #tpu.memory_space<semaphore_mem>>) src(%arg7 : memref<64x128xf32, #tpu.memory_space<vmem>>) dst(%dma_wait3A_260 : memref<10240x128xf32, #tpu.memory_space<vmem_shared>>)
      %lt3A_261 = arith.constant 39 : i32
      %lt3A_262 = arith.cmpi slt, %add3A_184, %lt3A_261 : i32
      %convert_element_type3A_263 = arith.extui %lt3A_262 : i1 to i32
      %cond3A_264 = arith.constant 0 : i32
      %cond3A_265 = arith.cmpi ne, %convert_element_type3A_263, %cond3A_264 : i32
      scf.if %cond3A_265 {
        %dma_start3A_295 = arith.constant 2 : i32
        %dma_start3A_296 = arith.constant 0 : i32
        %dma_start3A_297 = tpu.memref_slice %arg10[%dma_start3A_295, %dma_start3A_296] : memref<8x64xi32, #tpu.memory_space<vmem>> -> memref<1x64xi32, #tpu.memory_space<vmem>>
        %dma_start3A_298 = tpu.memref_squeeze %dma_start3A_297 : memref<1x64xi32, #tpu.memory_space<vmem>> -> memref<64xi32, #tpu.memory_space<vmem>>
        %dma_start3A_299 = arith.constant 0 : i32
        %dma_start3A_300 = arith.constant 0 : i32
        %dma_start3A_301 = tpu.memref_slice %arg2[%dma_start3A_299, %dma_start3A_300] : memref<10000x128xf32, #tpu.memory_space<hbm>> -> memref<10000x128xf32, #tpu.memory_space<hbm>>
        tpu.enqueue_indirect_dma source(%dma_start3A_301 : memref<10000x128xf32, #tpu.memory_space<hbm>>) target(%arg7 : memref<64x128xf32, #tpu.memory_space<vmem>>) offsets(%dma_start3A_298 : memref<64xi32, #tpu.memory_space<vmem>>) semaphore(%arg16 : memref<!tpu.dma_semaphore, #tpu.memory_space<semaphore_mem>>)
      } else {
      }
      %dma_wait3A_266 = arith.constant 5 : i32
      %dma_wait3A_267 = arith.constant 0 : i32
      %dma_wait3A_268 = tpu.memref_slice %arg11[%dma_wait3A_266, %dma_wait3A_267] : memref<8x64xi32, #tpu.memory_space<vmem>> -> memref<1x64xi32, #tpu.memory_space<vmem>>
      %dma_wait3A_269 = tpu.memref_squeeze %dma_wait3A_268 : memref<1x64xi32, #tpu.memory_space<vmem>> -> memref<64xi32, #tpu.memory_space<vmem>>
      %dma_wait3A_270 = arith.constant 0 : i32
      %dma_wait3A_271 = arith.constant 0 : i32
      %dma_wait3A_272 = tpu.memref_slice %arg12[%dma_wait3A_270, %dma_wait3A_271] : memref<10240x128xf32, #tpu.memory_space<vmem_shared>> -> memref<10240x128xf32, #tpu.memory_space<vmem_shared>>
      tpu.wait_indirect_dma semaphore(%arg21 : memref<!tpu.dma_semaphore, #tpu.memory_space<semaphore_mem>>) src(%arg8 : memref<64x128xf32, #tpu.memory_space<vmem>>) dst(%dma_wait3A_272 : memref<10240x128xf32, #tpu.memory_space<vmem_shared>>)
      %lt3A_273 = arith.constant 39 : i32
      %lt3A_274 = arith.cmpi slt, %add3A_184, %lt3A_273 : i32
      %convert_element_type3A_275 = arith.extui %lt3A_274 : i1 to i32
      %cond3A_276 = arith.constant 0 : i32
      %cond3A_277 = arith.cmpi ne, %convert_element_type3A_275, %cond3A_276 : i32
      scf.if %cond3A_277 {
        %dma_start3A_295 = arith.constant 4 : i32
        %dma_start3A_296 = arith.constant 0 : i32
        %dma_start3A_297 = tpu.memref_slice %arg10[%dma_start3A_295, %dma_start3A_296] : memref<8x64xi32, #tpu.memory_space<vmem>> -> memref<1x64xi32, #tpu.memory_space<vmem>>
        %dma_start3A_298 = tpu.memref_squeeze %dma_start3A_297 : memref<1x64xi32, #tpu.memory_space<vmem>> -> memref<64xi32, #tpu.memory_space<vmem>>
        %dma_start3A_299 = arith.constant 0 : i32
        %dma_start3A_300 = arith.constant 0 : i32
        %dma_start3A_301 = tpu.memref_slice %arg2[%dma_start3A_299, %dma_start3A_300] : memref<10000x128xf32, #tpu.memory_space<hbm>> -> memref<10000x128xf32, #tpu.memory_space<hbm>>
        tpu.enqueue_indirect_dma source(%dma_start3A_301 : memref<10000x128xf32, #tpu.memory_space<hbm>>) target(%arg8 : memref<64x128xf32, #tpu.memory_space<vmem>>) offsets(%dma_start3A_298 : memref<64xi32, #tpu.memory_space<vmem>>) semaphore(%arg17 : memref<!tpu.dma_semaphore, #tpu.memory_space<semaphore_mem>>)
      } else {
      }
      %dma_wait3A_278 = arith.constant 7 : i32
      %dma_wait3A_279 = arith.constant 0 : i32
      %dma_wait3A_280 = tpu.memref_slice %arg11[%dma_wait3A_278, %dma_wait3A_279] : memref<8x64xi32, #tpu.memory_space<vmem>> -> memref<1x64xi32, #tpu.memory_space<vmem>>
      %dma_wait3A_281 = tpu.memref_squeeze %dma_wait3A_280 : memref<1x64xi32, #tpu.memory_space<vmem>> -> memref<64xi32, #tpu.memory_space<vmem>>
      %dma_wait3A_282 = arith.constant 0 : i32
      %dma_wait3A_283 = arith.constant 0 : i32
      %dma_wait3A_284 = tpu.memref_slice %arg12[%dma_wait3A_282, %dma_wait3A_283] : memref<10240x128xf32, #tpu.memory_space<vmem_shared>> -> memref<10240x128xf32, #tpu.memory_space<vmem_shared>>
      tpu.wait_indirect_dma semaphore(%arg22 : memref<!tpu.dma_semaphore, #tpu.memory_space<semaphore_mem>>) src(%arg9 : memref<64x128xf32, #tpu.memory_space<vmem>>) dst(%dma_wait3A_284 : memref<10240x128xf32, #tpu.memory_space<vmem_shared>>)
      %lt3A_285 = arith.constant 39 : i32
      %lt3A_286 = arith.cmpi slt, %add3A_184, %lt3A_285 : i32
      %convert_element_type3A_287 = arith.extui %lt3A_286 : i1 to i32
      %cond3A_288 = arith.constant 0 : i32
      %cond3A_289 = arith.cmpi ne, %convert_element_type3A_287, %cond3A_288 : i32
      scf.if %cond3A_289 {
        %dma_start3A_295 = arith.constant 6 : i32
        %dma_start3A_296 = arith.constant 0 : i32
        %dma_start3A_297 = tpu.memref_slice %arg10[%dma_start3A_295, %dma_start3A_296] : memref<8x64xi32, #tpu.memory_space<vmem>> -> memref<1x64xi32, #tpu.memory_space<vmem>>
        %dma_start3A_298 = tpu.memref_squeeze %dma_start3A_297 : memref<1x64xi32, #tpu.memory_space<vmem>> -> memref<64xi32, #tpu.memory_space<vmem>>
        %dma_start3A_299 = arith.constant 0 : i32
        %dma_start3A_300 = arith.constant 0 : i32
        %dma_start3A_301 = tpu.memref_slice %arg2[%dma_start3A_299, %dma_start3A_300] : memref<10000x128xf32, #tpu.memory_space<hbm>> -> memref<10000x128xf32, #tpu.memory_space<hbm>>
        tpu.enqueue_indirect_dma source(%dma_start3A_301 : memref<10000x128xf32, #tpu.memory_space<hbm>>) target(%arg9 : memref<64x128xf32, #tpu.memory_space<vmem>>) offsets(%dma_start3A_298 : memref<64xi32, #tpu.memory_space<vmem>>) semaphore(%arg18 : memref<!tpu.dma_semaphore, #tpu.memory_space<semaphore_mem>>)
      } else {
      }
      %lt3A_290 = arith.constant 38 : i32
      %lt3A_291 = arith.cmpi slt, %add3A_184, %lt3A_290 : i32
      %convert_element_type3A_292 = arith.extui %lt3A_291 : i1 to i32
      %cond3A_293 = arith.constant 0 : i32
      %cond3A_294 = arith.cmpi ne, %convert_element_type3A_292, %cond3A_293 : i32
      scf.if %cond3A_294 {
        %add3A_295 = arith.addi %mul3A_2, %add3A_184 : i32
        %add3A_296 = arith.constant 2 : i32
        %add3A_297 = arith.addi %add3A_295, %add3A_296 : i32
        %dma_start3A_298 = arith.constant 0 : i32
        %dma_start3A_299 = arith.constant 0 : i32
        %dma_start3A_300 = tpu.memref_slice %arg3[%add3A_297, %dma_start3A_298, %dma_start3A_299] : memref<1280x8x64xi32, #tpu.memory_space<hbm>> -> memref<1x8x64xi32, #tpu.memory_space<hbm>>
        %dma_start3A_301 = tpu.memref_squeeze %dma_start3A_300 : memref<1x8x64xi32, #tpu.memory_space<hbm>> -> memref<8x64xi32, #tpu.memory_space<hbm>>
        %dma_start3A_302 = arith.constant 0 : i32
        %dma_start3A_303 = arith.constant 0 : i32
        %dma_start3A_304 = tpu.memref_slice %arg3[%add3A_297, %dma_start3A_302, %dma_start3A_303] : memref<1280x8x64xi32, #tpu.memory_space<hbm>> -> memref<1x8x64xi32, #tpu.memory_space<hbm>>
        %dma_start3A_305 = tpu.memref_squeeze %dma_start3A_304 : memref<1x8x64xi32, #tpu.memory_space<hbm>> -> memref<8x64xi32, #tpu.memory_space<hbm>>
        tpu.enqueue_dma source(%dma_start3A_305 : memref<8x64xi32, #tpu.memory_space<hbm>>) target(%arg11 : memref<8x64xi32, #tpu.memory_space<vmem>>) target_semaphore(%arg13 : memref<!tpu.dma_semaphore, #tpu.memory_space<semaphore_mem>>)
      } else {
      }
    }
    %scan3A_65 = arith.constant 20 : i32
    %barrier3A_66 = arith.constant 0 : index
    tpu.barrier barrier_id(%barrier3A_66)
    %mul3A_67 = arith.constant 640 : i32
    %mul3A_68 = arith.muli %arg1, %mul3A_67 : i32
    %mul3A_69 = arith.constant 640 : i32
    %mul3A_70 = arith.muli %arg1, %mul3A_69 : i32
    "tpu.region"() ({
      %run_scoped3A = tpu.sem_alloc : memref<!tpu.dma_semaphore, #tpu.memory_space<semaphore_mem>>
      %dma_start3A_71 = arith.constant 0 : i32
      %dma_start3A_72 = arith.constant 0 : i32
      %dma_start3A_73 = tpu.memref_slice %arg5[%arg0, %dma_start3A_71, %dma_start3A_72] : memref<2x10240x128xf32, #tpu.memory_space<hbm>> -> memref<1x10240x128xf32, #tpu.memory_space<hbm>>
      %dma_start3A_74 = tpu.memref_squeeze %dma_start3A_73 : memref<1x10240x128xf32, #tpu.memory_space<hbm>> -> memref<10240x128xf32, #tpu.memory_space<hbm>>
      %dma_start3A_75 = arith.constant 0 : i32
      %dma_start3A_76 = tpu.memref_slice %dma_start3A_74[%mul3A_70, %dma_start3A_75] : memref<10240x128xf32, #tpu.memory_space<hbm>> -> memref<640x128xf32, #tpu.memory_space<hbm>>
      %dma_start3A_77 = arith.constant 0 : i32
      %dma_start3A_78 = tpu.memref_slice %arg12[%mul3A_68, %dma_start3A_77] : memref<10240x128xf32, #tpu.memory_space<vmem_shared>> -> memref<640x128xf32, #tpu.memory_space<vmem_shared>>
      tpu.enqueue_dma source(%dma_start3A_78 : memref<640x128xf32, #tpu.memory_space<vmem_shared>>) target(%dma_start3A_76 : memref<640x128xf32, #tpu.memory_space<hbm>>) target_semaphore(%run_scoped3A : memref<!tpu.dma_semaphore, #tpu.memory_space<semaphore_mem>>)
      %dma_wait3A_79 = arith.constant 0 : i32
      %dma_wait3A_80 = arith.constant 0 : i32
      %dma_wait3A_81 = tpu.memref_slice %arg5[%arg0, %dma_wait3A_79, %dma_wait3A_80] : memref<2x10240x128xf32, #tpu.memory_space<hbm>> -> memref<1x10240x128xf32, #tpu.memory_space<hbm>>
      %dma_wait3A_82 = tpu.memref_squeeze %dma_wait3A_81 : memref<1x10240x128xf32, #tpu.memory_space<hbm>> -> memref<10240x128xf32, #tpu.memory_space<hbm>>
      %dma_wait3A_83 = arith.constant 0 : i32
      %dma_wait3A_84 = tpu.memref_slice %dma_wait3A_82[%mul3A_70, %dma_wait3A_83] : memref<10240x128xf32, #tpu.memory_space<hbm>> -> memref<640x128xf32, #tpu.memory_space<hbm>>
      %dma_wait3A_85 = arith.constant 0 : i32
      %dma_wait3A_86 = tpu.memref_slice %arg12[%mul3A_68, %dma_wait3A_85] : memref<10240x128xf32, #tpu.memory_space<vmem_shared>> -> memref<640x128xf32, #tpu.memory_space<vmem_shared>>
      tpu.wait_dma2 semaphore(%run_scoped3A : memref<!tpu.dma_semaphore, #tpu.memory_space<semaphore_mem>>) src(%dma_wait3A_86 : memref<640x128xf32, #tpu.memory_space<vmem_shared>>) dst(%dma_wait3A_84 : memref<640x128xf32, #tpu.memory_space<hbm>>)
      tpu.yield
    }) : () -> ()
    return
  }
}

#map = affine_map<(d0, d1) -> (0)>
#map1 = affine_map<(d0, d1) -> (0, 0)>
module attributes {stable_mosaic.version = 14 : i64} {
  func.func @_deg_body(%arg0: i32, %arg1: i32, %arg2: memref<320000xi32, #tpu.memory_space<hbm>>, %arg3: memref<640x16xf32, #tpu.memory_space<hbm>>, %arg4: memref<20480x16xf32, #tpu.memory_space<hbm>>, %arg5: memref<10000xi32, #tpu.memory_space<vmem>>, %arg6: memref<640x16xf32, #tpu.memory_space<vmem>>, %arg7: memref<!tpu.dma_semaphore, #tpu.memory_space<semaphore_mem>>, %arg8: memref<!tpu.dma_semaphore, #tpu.memory_space<semaphore_mem>>) attributes {dimension_semantics = [#tpu.dimension_semantics<core_parallel>, #tpu.dimension_semantics<subcore_parallel>], iteration_bounds = array<i64: 2, 16>, scalar_prefetch = 0 : i64, scratch_operands = 4 : i64, tpu.core_type = #tpu.core_type<sc_vector_subcore>, window_params = [{transform_indices = #map}, {transform_indices = #map1}, {transform_indices = #map1}]} {
    %mul3A = arith.constant 16 : i32
    %mul3A_0 = arith.muli %arg0, %mul3A : i32
    %add3A = arith.addi %mul3A_0, %arg1 : i32
    tpu.enqueue_dma source(%arg3 : memref<640x16xf32, #tpu.memory_space<hbm>>) target(%arg6 : memref<640x16xf32, #tpu.memory_space<vmem>>) target_semaphore(%arg7 : memref<!tpu.dma_semaphore, #tpu.memory_space<semaphore_mem>>)
    %mul3A_1 = arith.constant 10000 : i32
    %mul3A_2 = arith.muli %add3A, %mul3A_1 : i32
    %dma_start3A = tpu.memref_slice %arg2[%mul3A_2] : memref<320000xi32, #tpu.memory_space<hbm>> -> memref<10000xi32, #tpu.memory_space<hbm>>
    %dma_start3A_3 = tpu.memref_slice %arg2[%mul3A_2] : memref<320000xi32, #tpu.memory_space<hbm>> -> memref<10000xi32, #tpu.memory_space<hbm>>
    tpu.enqueue_dma source(%dma_start3A_3 : memref<10000xi32, #tpu.memory_space<hbm>>) target(%arg5 : memref<10000xi32, #tpu.memory_space<vmem>>) target_semaphore(%arg8 : memref<!tpu.dma_semaphore, #tpu.memory_space<semaphore_mem>>)
    tpu.wait_dma2 semaphore(%arg7 : memref<!tpu.dma_semaphore, #tpu.memory_space<semaphore_mem>>) src(%arg3 : memref<640x16xf32, #tpu.memory_space<hbm>>) dst(%arg6 : memref<640x16xf32, #tpu.memory_space<vmem>>)
    %dma_wait3A = tpu.memref_slice %arg2[%mul3A_2] : memref<320000xi32, #tpu.memory_space<hbm>> -> memref<10000xi32, #tpu.memory_space<hbm>>
    %dma_wait3A_4 = tpu.memref_slice %arg2[%mul3A_2] : memref<320000xi32, #tpu.memory_space<hbm>> -> memref<10000xi32, #tpu.memory_space<hbm>>
    tpu.wait_dma2 semaphore(%arg8 : memref<!tpu.dma_semaphore, #tpu.memory_space<semaphore_mem>>) src(%dma_wait3A_4 : memref<10000xi32, #tpu.memory_space<hbm>>) dst(%arg5 : memref<10000xi32, #tpu.memory_space<vmem>>)
    %broadcast_in_dim3A = arith.constant 1.000000e+00 : f32
    %broadcast_in_dim3A_5 = vector.broadcast %broadcast_in_dim3A : f32 to vector<16xf32>
    %scan3A = arith.constant 0 : i32
    %scan3A_6 = arith.constant 0 : i32
    %scan3A_7 = arith.constant 125 : i32
    %scan3A_8 = arith.addi %scan3A_6, %scan3A_7 : i32
    %scan3A_9 = arith.constant 1 : i32
    scf.for %scan3A_13 = %scan3A_6 to %scan3A_8 step %scan3A_9  : i32 {
      %mul3A_14 = arith.constant 80 : i32
      %mul3A_15 = arith.muli %scan3A_13, %mul3A_14 : i32
      %add3A_16 = arith.constant 0 : i32
      %add3A_17 = arith.addi %mul3A_15, %add3A_16 : i32
      %get3A = arith.index_cast %add3A_17 : i32 to index
      %get3A_18 = tpu.vector_load %arg5[%get3A] {strides = array<i32>} : memref<10000xi32, #tpu.memory_space<vmem>>, vector<16xi32>,
      %shift_right_arithmetic3A = arith.constant 4 : i32
      %shift_right_arithmetic3A_19 = vector.broadcast %shift_right_arithmetic3A : i32 to vector<16xi32>
      %shift_right_arithmetic3A_20 = arith.shrsi %get3A_18, %shift_right_arithmetic3A_19 : vector<16xi32>
      %and3A = arith.constant 15 : i32
      %and3A_21 = vector.broadcast %and3A : i32 to vector<16xi32>
      %and3A_22 = arith.andi %get3A_18, %and3A_21 : vector<16xi32>
      tpu.vector_store_idx %arg6[%shift_right_arithmetic3A_20, %and3A_22], %broadcast_in_dim3A_5 {add = true} : memref<640x16xf32, #tpu.memory_space<vmem>>[vector<16xi32>, vector<16xi32>], vector<16xf32>,
      %mul3A_23 = arith.constant 80 : i32
      %mul3A_24 = arith.muli %scan3A_13, %mul3A_23 : i32
      %add3A_25 = arith.constant 16 : i32
      %add3A_26 = arith.addi %mul3A_24, %add3A_25 : i32
      %get3A_27 = arith.index_cast %add3A_26 : i32 to index
      %get3A_28 = tpu.vector_load %arg5[%get3A_27] {strides = array<i32>} : memref<10000xi32, #tpu.memory_space<vmem>>, vector<16xi32>,
      %shift_right_arithmetic3A_29 = arith.constant 4 : i32
      %shift_right_arithmetic3A_30 = vector.broadcast %shift_right_arithmetic3A_29 : i32 to vector<16xi32>
      %shift_right_arithmetic3A_31 = arith.shrsi %get3A_28, %shift_right_arithmetic3A_30 : vector<16xi32>
      %and3A_32 = arith.constant 15 : i32
      %and3A_33 = vector.broadcast %and3A_32 : i32 to vector<16xi32>
      %and3A_34 = arith.andi %get3A_28, %and3A_33 : vector<16xi32>
      tpu.vector_store_idx %arg6[%shift_right_arithmetic3A_31, %and3A_34], %broadcast_in_dim3A_5 {add = true} : memref<640x16xf32, #tpu.memory_space<vmem>>[vector<16xi32>, vector<16xi32>], vector<16xf32>,
      %mul3A_35 = arith.constant 80 : i32
      %mul3A_36 = arith.muli %scan3A_13, %mul3A_35 : i32
      %add3A_37 = arith.constant 32 : i32
      %add3A_38 = arith.addi %mul3A_36, %add3A_37 : i32
      %get3A_39 = arith.index_cast %add3A_38 : i32 to index
      %get3A_40 = tpu.vector_load %arg5[%get3A_39] {strides = array<i32>} : memref<10000xi32, #tpu.memory_space<vmem>>, vector<16xi32>,
      %shift_right_arithmetic3A_41 = arith.constant 4 : i32
      %shift_right_arithmetic3A_42 = vector.broadcast %shift_right_arithmetic3A_41 : i32 to vector<16xi32>
      %shift_right_arithmetic3A_43 = arith.shrsi %get3A_40, %shift_right_arithmetic3A_42 : vector<16xi32>
      %and3A_44 = arith.constant 15 : i32
      %and3A_45 = vector.broadcast %and3A_44 : i32 to vector<16xi32>
      %and3A_46 = arith.andi %get3A_40, %and3A_45 : vector<16xi32>
      tpu.vector_store_idx %arg6[%shift_right_arithmetic3A_43, %and3A_46], %broadcast_in_dim3A_5 {add = true} : memref<640x16xf32, #tpu.memory_space<vmem>>[vector<16xi32>, vector<16xi32>], vector<16xf32>,
      %mul3A_47 = arith.constant 80 : i32
      %mul3A_48 = arith.muli %scan3A_13, %mul3A_47 : i32
      %add3A_49 = arith.constant 48 : i32
      %add3A_50 = arith.addi %mul3A_48, %add3A_49 : i32
      %get3A_51 = arith.index_cast %add3A_50 : i32 to index
      %get3A_52 = tpu.vector_load %arg5[%get3A_51] {strides = array<i32>} : memref<10000xi32, #tpu.memory_space<vmem>>, vector<16xi32>,
      %shift_right_arithmetic3A_53 = arith.constant 4 : i32
      %shift_right_arithmetic3A_54 = vector.broadcast %shift_right_arithmetic3A_53 : i32 to vector<16xi32>
      %shift_right_arithmetic3A_55 = arith.shrsi %get3A_52, %shift_right_arithmetic3A_54 : vector<16xi32>
      %and3A_56 = arith.constant 15 : i32
      %and3A_57 = vector.broadcast %and3A_56 : i32 to vector<16xi32>
      %and3A_58 = arith.andi %get3A_52, %and3A_57 : vector<16xi32>
      tpu.vector_store_idx %arg6[%shift_right_arithmetic3A_55, %and3A_58], %broadcast_in_dim3A_5 {add = true} : memref<640x16xf32, #tpu.memory_space<vmem>>[vector<16xi32>, vector<16xi32>], vector<16xf32>,
      %mul3A_59 = arith.constant 80 : i32
      %mul3A_60 = arith.muli %scan3A_13, %mul3A_59 : i32
      %add3A_61 = arith.constant 64 : i32
      %add3A_62 = arith.addi %mul3A_60, %add3A_61 : i32
      %get3A_63 = arith.index_cast %add3A_62 : i32 to index
      %get3A_64 = tpu.vector_load %arg5[%get3A_63] {strides = array<i32>} : memref<10000xi32, #tpu.memory_space<vmem>>, vector<16xi32>,
      %shift_right_arithmetic3A_65 = arith.constant 4 : i32
      %shift_right_arithmetic3A_66 = vector.broadcast %shift_right_arithmetic3A_65 : i32 to vector<16xi32>
      %shift_right_arithmetic3A_67 = arith.shrsi %get3A_64, %shift_right_arithmetic3A_66 : vector<16xi32>
      %and3A_68 = arith.constant 15 : i32
      %and3A_69 = vector.broadcast %and3A_68 : i32 to vector<16xi32>
      %and3A_70 = arith.andi %get3A_64, %and3A_69 : vector<16xi32>
      tpu.vector_store_idx %arg6[%shift_right_arithmetic3A_67, %and3A_70], %broadcast_in_dim3A_5 {add = true} : memref<640x16xf32, #tpu.memory_space<vmem>>[vector<16xi32>, vector<16xi32>], vector<16xf32>,
    }
    %scan3A_10 = arith.constant 125 : i32
    %mul3A_11 = arith.constant 640 : i32
    %mul3A_12 = arith.muli %add3A, %mul3A_11 : i32
    "tpu.region"() ({
      %run_scoped3A = tpu.sem_alloc : memref<!tpu.dma_semaphore, #tpu.memory_space<semaphore_mem>>
      %dma_start3A_13 = arith.constant 0 : i32
      %dma_start3A_14 = tpu.memref_slice %arg4[%mul3A_12, %dma_start3A_13] : memref<20480x16xf32, #tpu.memory_space<hbm>> -> memref<640x16xf32, #tpu.memory_space<hbm>>
      %dma_start3A_15 = arith.constant 0 : i32
      %dma_start3A_16 = tpu.memref_slice %arg4[%mul3A_12, %dma_start3A_15] : memref<20480x16xf32, #tpu.memory_space<hbm>> -> memref<640x16xf32, #tpu.memory_space<hbm>>
      tpu.enqueue_dma source(%arg6 : memref<640x16xf32, #tpu.memory_space<vmem>>) target(%dma_start3A_16 : memref<640x16xf32, #tpu.memory_space<hbm>>) target_semaphore(%run_scoped3A : memref<!tpu.dma_semaphore, #tpu.memory_space<semaphore_mem>>)
      %dma_wait3A_17 = arith.constant 0 : i32
      %dma_wait3A_18 = tpu.memref_slice %arg4[%mul3A_12, %dma_wait3A_17] : memref<20480x16xf32, #tpu.memory_space<hbm>> -> memref<640x16xf32, #tpu.memory_space<hbm>>
      %dma_wait3A_19 = arith.constant 0 : i32
      %dma_wait3A_20 = tpu.memref_slice %arg4[%mul3A_12, %dma_wait3A_19] : memref<20480x16xf32, #tpu.memory_space<hbm>> -> memref<640x16xf32, #tpu.memory_space<hbm>>
      tpu.wait_dma2 semaphore(%run_scoped3A : memref<!tpu.dma_semaphore, #tpu.memory_space<semaphore_mem>>) src(%arg6 : memref<640x16xf32, #tpu.memory_space<vmem>>) dst(%dma_wait3A_20 : memref<640x16xf32, #tpu.memory_space<hbm>>)
      tpu.yield
    }) : () -> ()
    return
  }
}

#map = affine_map<(d0, d1) -> (0, 0)>
#map1 = affine_map<(d0, d1) -> (0, 0, 0)>
module attributes {stable_mosaic.version = 14 : i64} {
  func.func @_gs_body(%arg0: i32, %arg1: i32, %arg2: memref<10000x128xf32, #tpu.memory_space<hbm>>, %arg3: memref<1280x8x64xi32, #tpu.memory_space<hbm>>, %arg4: memref<640x128xf32, #tpu.memory_space<hbm>>, %arg5: memref<2x10240x128xf32, #tpu.memory_space<hbm>>, %arg6: memref<64x128xf32, #tpu.memory_space<vmem>>, %arg7: memref<64x128xf32, #tpu.memory_space<vmem>>, %arg8: memref<64x128xf32, #tpu.memory_space<vmem>>, %arg9: memref<64x128xf32, #tpu.memory_space<vmem>>, %arg10: memref<8x64xi32, #tpu.memory_space<vmem>>, %arg11: memref<8x64xi32, #tpu.memory_space<vmem>>, %arg12: memref<10240x128xf32, #tpu.memory_space<vmem_shared>>, %arg13: memref<!tpu.dma_semaphore, #tpu.memory_space<semaphore_mem>>, %arg14: memref<!tpu.dma_semaphore, #tpu.memory_space<semaphore_mem>>, %arg15: memref<!tpu.dma_semaphore, #tpu.memory_space<semaphore_mem>>, %arg16: memref<!tpu.dma_semaphore, #tpu.memory_space<semaphore_mem>>, %arg17: memref<!tpu.dma_semaphore, #tpu.memory_space<semaphore_mem>>, %arg18: memref<!tpu.dma_semaphore, #tpu.memory_space<semaphore_mem>>, %arg19: memref<!tpu.dma_semaphore, #tpu.memory_space<semaphore_mem>>, %arg20: memref<!tpu.dma_semaphore, #tpu.memory_space<semaphore_mem>>, %arg21: memref<!tpu.dma_semaphore, #tpu.memory_space<semaphore_mem>>, %arg22: memref<!tpu.dma_semaphore, #tpu.memory_space<semaphore_mem>>) attributes {dimension_semantics = [#tpu.dimension_semantics<core_parallel>, #tpu.dimension_semantics<subcore_parallel>], iteration_bounds = array<i64: 2, 16>, scalar_prefetch = 0 : i64, scratch_operands = 17 : i64, tpu.core_type = #tpu.core_type<sc_vector_subcore>, window_params = [{transform_indices = #map}, {transform_indices = #map1}, {transform_indices = #map}, {transform_indices = #map1}]} {
    %mul3A = arith.constant 16 : i32
    %mul3A_0 = arith.muli %arg0, %mul3A : i32
    %add3A = arith.addi %mul3A_0, %arg1 : i32
    %mul3A_1 = arith.constant 40 : i32
    %mul3A_2 = arith.muli %add3A, %mul3A_1 : i32
    %dma_start3A = arith.constant 0 : i32
    %dma_start3A_3 = arith.constant 0 : i32
    %dma_start3A_4 = tpu.memref_slice %arg3[%mul3A_2, %dma_start3A, %dma_start3A_3] : memref<1280x8x64xi32, #tpu.memory_space<hbm>> -> memref<1x8x64xi32, #tpu.memory_space<hbm>>
    %dma_start3A_5 = tpu.memref_squeeze %dma_start3A_4 : memref<1x8x64xi32, #tpu.memory_space<hbm>> -> memref<8x64xi32, #tpu.memory_space<hbm>>
    %dma_start3A_6 = arith.constant 0 : i32
    %dma_start3A_7 = arith.constant 0 : i32
    %dma_start3A_8 = tpu.memref_slice %arg3[%mul3A_2, %dma_start3A_6, %dma_start3A_7] : memref<1280x8x64xi32, #tpu.memory_space<hbm>> -> memref<1x8x64xi32, #tpu.memory_space<hbm>>
    %dma_start3A_9 = tpu.memref_squeeze %dma_start3A_8 : memref<1x8x64xi32, #tpu.memory_space<hbm>> -> memref<8x64xi32, #tpu.memory_space<hbm>>
    tpu.enqueue_dma source(%dma_start3A_9 : memref<8x64xi32, #tpu.memory_space<hbm>>) target(%arg10 : memref<8x64xi32, #tpu.memory_space<vmem>>) target_semaphore(%arg13 : memref<!tpu.dma_semaphore, #tpu.memory_space<semaphore_mem>>)
    %mul3A_10 = arith.constant 640 : i32
    %mul3A_11 = arith.muli %arg1, %mul3A_10 : i32
    %dma_start3A_12 = arith.constant 0 : i32
    %dma_start3A_13 = tpu.memref_slice %arg12[%mul3A_11, %dma_start3A_12] : memref<10240x128xf32, #tpu.memory_space<vmem_shared>> -> memref<640x128xf32, #tpu.memory_space<vmem_shared>>
    tpu.enqueue_dma source(%arg4 : memref<640x128xf32, #tpu.memory_space<hbm>>) target(%dma_start3A_13 : memref<640x128xf32, #tpu.memory_space<vmem_shared>>) target_semaphore(%arg14 : memref<!tpu.dma_semaphore, #tpu.memory_space<semaphore_mem>>)
    %dma_wait3A = arith.constant 0 : i32
    %dma_wait3A_14 = arith.constant 0 : i32
    %dma_wait3A_15 = tpu.memref_slice %arg3[%mul3A_2, %dma_wait3A, %dma_wait3A_14] : memref<1280x8x64xi32, #tpu.memory_space<hbm>> -> memref<1x8x64xi32, #tpu.memory_space<hbm>>
    %dma_wait3A_16 = tpu.memref_squeeze %dma_wait3A_15 : memref<1x8x64xi32, #tpu.memory_space<hbm>> -> memref<8x64xi32, #tpu.memory_space<hbm>>
    %dma_wait3A_17 = arith.constant 0 : i32
    %dma_wait3A_18 = arith.constant 0 : i32
    %dma_wait3A_19 = tpu.memref_slice %arg3[%mul3A_2, %dma_wait3A_17, %dma_wait3A_18] : memref<1280x8x64xi32, #tpu.memory_space<hbm>> -> memref<1x8x64xi32, #tpu.memory_space<hbm>>
    %dma_wait3A_20 = tpu.memref_squeeze %dma_wait3A_19 : memref<1x8x64xi32, #tpu.memory_space<hbm>> -> memref<8x64xi32, #tpu.memory_space<hbm>>
    tpu.wait_dma2 semaphore(%arg13 : memref<!tpu.dma_semaphore, #tpu.memory_space<semaphore_mem>>) src(%dma_wait3A_20 : memref<8x64xi32, #tpu.memory_space<hbm>>) dst(%arg10 : memref<8x64xi32, #tpu.memory_space<vmem>>)
    %add3A_21 = arith.constant 1 : i32
    %add3A_22 = arith.addi %mul3A_2, %add3A_21 : i32
    %dma_start3A_23 = arith.constant 0 : i32
    %dma_start3A_24 = arith.constant 0 : i32
    %dma_start3A_25 = tpu.memref_slice %arg3[%add3A_22, %dma_start3A_23, %dma_start3A_24] : memref<1280x8x64xi32, #tpu.memory_space<hbm>> -> memref<1x8x64xi32, #tpu.memory_space<hbm>>
    %dma_start3A_26 = tpu.memref_squeeze %dma_start3A_25 : memref<1x8x64xi32, #tpu.memory_space<hbm>> -> memref<8x64xi32, #tpu.memory_space<hbm>>
    %dma_start3A_27 = arith.constant 0 : i32
    %dma_start3A_28 = arith.constant 0 : i32
    %dma_start3A_29 = tpu.memref_slice %arg3[%add3A_22, %dma_start3A_27, %dma_start3A_28] : memref<1280x8x64xi32, #tpu.memory_space<hbm>> -> memref<1x8x64xi32, #tpu.memory_space<hbm>>
    %dma_start3A_30 = tpu.memref_squeeze %dma_start3A_29 : memref<1x8x64xi32, #tpu.memory_space<hbm>> -> memref<8x64xi32, #tpu.memory_space<hbm>>
    tpu.enqueue_dma source(%dma_start3A_30 : memref<8x64xi32, #tpu.memory_space<hbm>>) target(%arg11 : memref<8x64xi32, #tpu.memory_space<vmem>>) target_semaphore(%arg13 : memref<!tpu.dma_semaphore, #tpu.memory_space<semaphore_mem>>)
    %dma_start3A_31 = arith.constant 0 : i32
    %dma_start3A_32 = arith.constant 0 : i32
    %dma_start3A_33 = tpu.memref_slice %arg10[%dma_start3A_31, %dma_start3A_32] : memref<8x64xi32, #tpu.memory_space<vmem>> -> memref<1x64xi32, #tpu.memory_space<vmem>>
    %dma_start3A_34 = tpu.memref_squeeze %dma_start3A_33 : memref<1x64xi32, #tpu.memory_space<vmem>> -> memref<64xi32, #tpu.memory_space<vmem>>
    %dma_start3A_35 = arith.constant 0 : i32
    %dma_start3A_36 = arith.constant 0 : i32
    %dma_start3A_37 = tpu.memref_slice %arg2[%dma_start3A_35, %dma_start3A_36] : memref<10000x128xf32, #tpu.memory_space<hbm>> -> memref<10000x128xf32, #tpu.memory_space<hbm>>
    tpu.enqueue_indirect_dma source(%dma_start3A_37 : memref<10000x128xf32, #tpu.memory_space<hbm>>) target(%arg6 : memref<64x128xf32, #tpu.memory_space<vmem>>) offsets(%dma_start3A_34 : memref<64xi32, #tpu.memory_space<vmem>>) semaphore(%arg15 : memref<!tpu.dma_semaphore, #tpu.memory_space<semaphore_mem>>)
    %dma_start3A_38 = arith.constant 2 : i32
    %dma_start3A_39 = arith.constant 0 : i32
    %dma_start3A_40 = tpu.memref_slice %arg10[%dma_start3A_38, %dma_start3A_39] : memref<8x64xi32, #tpu.memory_space<vmem>> -> memref<1x64xi32, #tpu.memory_space<vmem>>
    %dma_start3A_41 = tpu.memref_squeeze %dma_start3A_40 : memref<1x64xi32, #tpu.memory_space<vmem>> -> memref<64xi32, #tpu.memory_space<vmem>>
    %dma_start3A_42 = arith.constant 0 : i32
    %dma_start3A_43 = arith.constant 0 : i32
    %dma_start3A_44 = tpu.memref_slice %arg2[%dma_start3A_42, %dma_start3A_43] : memref<10000x128xf32, #tpu.memory_space<hbm>> -> memref<10000x128xf32, #tpu.memory_space<hbm>>
    tpu.enqueue_indirect_dma source(%dma_start3A_44 : memref<10000x128xf32, #tpu.memory_space<hbm>>) target(%arg7 : memref<64x128xf32, #tpu.memory_space<vmem>>) offsets(%dma_start3A_41 : memref<64xi32, #tpu.memory_space<vmem>>) semaphore(%arg16 : memref<!tpu.dma_semaphore, #tpu.memory_space<semaphore_mem>>)
    %dma_start3A_45 = arith.constant 4 : i32
    %dma_start3A_46 = arith.constant 0 : i32
    %dma_start3A_47 = tpu.memref_slice %arg10[%dma_start3A_45, %dma_start3A_46] : memref<8x64xi32, #tpu.memory_space<vmem>> -> memref<1x64xi32, #tpu.memory_space<vmem>>
    %dma_start3A_48 = tpu.memref_squeeze %dma_start3A_47 : memref<1x64xi32, #tpu.memory_space<vmem>> -> memref<64xi32, #tpu.memory_space<vmem>>
    %dma_start3A_49 = arith.constant 0 : i32
    %dma_start3A_50 = arith.constant 0 : i32
    %dma_start3A_51 = tpu.memref_slice %arg2[%dma_start3A_49, %dma_start3A_50] : memref<10000x128xf32, #tpu.memory_space<hbm>> -> memref<10000x128xf32, #tpu.memory_space<hbm>>
    tpu.enqueue_indirect_dma source(%dma_start3A_51 : memref<10000x128xf32, #tpu.memory_space<hbm>>) target(%arg8 : memref<64x128xf32, #tpu.memory_space<vmem>>) offsets(%dma_start3A_48 : memref<64xi32, #tpu.memory_space<vmem>>) semaphore(%arg17 : memref<!tpu.dma_semaphore, #tpu.memory_space<semaphore_mem>>)
    %dma_start3A_52 = arith.constant 6 : i32
    %dma_start3A_53 = arith.constant 0 : i32
    %dma_start3A_54 = tpu.memref_slice %arg10[%dma_start3A_52, %dma_start3A_53] : memref<8x64xi32, #tpu.memory_space<vmem>> -> memref<1x64xi32, #tpu.memory_space<vmem>>
    %dma_start3A_55 = tpu.memref_squeeze %dma_start3A_54 : memref<1x64xi32, #tpu.memory_space<vmem>> -> memref<64xi32, #tpu.memory_space<vmem>>
    %dma_start3A_56 = arith.constant 0 : i32
    %dma_start3A_57 = arith.constant 0 : i32
    %dma_start3A_58 = tpu.memref_slice %arg2[%dma_start3A_56, %dma_start3A_57] : memref<10000x128xf32, #tpu.memory_space<hbm>> -> memref<10000x128xf32, #tpu.memory_space<hbm>>
    tpu.enqueue_indirect_dma source(%dma_start3A_58 : memref<10000x128xf32, #tpu.memory_space<hbm>>) target(%arg9 : memref<64x128xf32, #tpu.memory_space<vmem>>) offsets(%dma_start3A_55 : memref<64xi32, #tpu.memory_space<vmem>>) semaphore(%arg18 : memref<!tpu.dma_semaphore, #tpu.memory_space<semaphore_mem>>)
    %dma_wait3A_59 = arith.constant 0 : i32
    %dma_wait3A_60 = tpu.memref_slice %arg12[%mul3A_11, %dma_wait3A_59] : memref<10240x128xf32, #tpu.memory_space<vmem_shared>> -> memref<640x128xf32, #tpu.memory_space<vmem_shared>>
    tpu.wait_dma2 semaphore(%arg14 : memref<!tpu.dma_semaphore, #tpu.memory_space<semaphore_mem>>) src(%arg4 : memref<640x128xf32, #tpu.memory_space<hbm>>) dst(%dma_wait3A_60 : memref<640x128xf32, #tpu.memory_space<vmem_shared>>)
    %barrier3A = arith.constant 0 : index
    tpu.barrier barrier_id(%barrier3A)
    %scan3A = arith.constant 0 : i32
    %scan3A_61 = arith.constant 0 : i32
    %scan3A_62 = arith.constant 20 : i32
    %scan3A_63 = arith.addi %scan3A_61, %scan3A_62 : i32
    %scan3A_64 = arith.constant 1 : i32
    scf.for %scan3A_71 = %scan3A_61 to %scan3A_63 step %scan3A_64  : i32 {
      %mul3A_72 = arith.constant 2 : i32
      %mul3A_73 = arith.muli %mul3A_72, %scan3A_71 : i32
      %dma_wait3A_74 = arith.constant 0 : i32
      %dma_wait3A_75 = arith.constant 0 : i32
      %dma_wait3A_76 = tpu.memref_slice %arg2[%dma_wait3A_74, %dma_wait3A_75] : memref<10000x128xf32, #tpu.memory_space<hbm>> -> memref<64x128xf32, #tpu.memory_space<hbm>>
      %dma_wait3A_77 = arith.constant 0 : i32
      %dma_wait3A_78 = arith.constant 0 : i32
      %dma_wait3A_79 = tpu.memref_slice %arg2[%dma_wait3A_77, %dma_wait3A_78] : memref<10000x128xf32, #tpu.memory_space<hbm>> -> memref<64x128xf32, #tpu.memory_space<hbm>>
      tpu.wait_dma2 semaphore(%arg15 : memref<!tpu.dma_semaphore, #tpu.memory_space<semaphore_mem>>) src(%dma_wait3A_79 : memref<64x128xf32, #tpu.memory_space<hbm>>) dst(%arg6 : memref<64x128xf32, #tpu.memory_space<vmem>>)
      %dma_start3A_80 = arith.constant 1 : i32
      %dma_start3A_81 = arith.constant 0 : i32
      %dma_start3A_82 = tpu.memref_slice %arg10[%dma_start3A_80, %dma_start3A_81] : memref<8x64xi32, #tpu.memory_space<vmem>> -> memref<1x64xi32, #tpu.memory_space<vmem>>
      %dma_start3A_83 = tpu.memref_squeeze %dma_start3A_82 : memref<1x64xi32, #tpu.memory_space<vmem>> -> memref<64xi32, #tpu.memory_space<vmem>>
      %dma_start3A_84 = arith.constant 0 : i32
      %dma_start3A_85 = arith.constant 0 : i32
      %dma_start3A_86 = tpu.memref_slice %arg12[%dma_start3A_84, %dma_start3A_85] : memref<10240x128xf32, #tpu.memory_space<vmem_shared>> -> memref<10240x128xf32, #tpu.memory_space<vmem_shared>>
      tpu.enqueue_indirect_dma source(%arg6 : memref<64x128xf32, #tpu.memory_space<vmem>>) target(%dma_start3A_86 : memref<10240x128xf32, #tpu.memory_space<vmem_shared>>) offsets(%dma_start3A_83 : memref<64xi32, #tpu.memory_space<vmem>>) semaphore(%arg19 : memref<!tpu.dma_semaphore, #tpu.memory_space<semaphore_mem>>) {add = true}
      %dma_wait3A_87 = arith.constant 0 : i32
      %dma_wait3A_88 = arith.constant 0 : i32
      %dma_wait3A_89 = tpu.memref_slice %arg2[%dma_wait3A_87, %dma_wait3A_88] : memref<10000x128xf32, #tpu.memory_space<hbm>> -> memref<64x128xf32, #tpu.memory_space<hbm>>
      %dma_wait3A_90 = arith.constant 0 : i32
      %dma_wait3A_91 = arith.constant 0 : i32
      %dma_wait3A_92 = tpu.memref_slice %arg2[%dma_wait3A_90, %dma_wait3A_91] : memref<10000x128xf32, #tpu.memory_space<hbm>> -> memref<64x128xf32, #tpu.memory_space<hbm>>
      tpu.wait_dma2 semaphore(%arg16 : memref<!tpu.dma_semaphore, #tpu.memory_space<semaphore_mem>>) src(%dma_wait3A_92 : memref<64x128xf32, #tpu.memory_space<hbm>>) dst(%arg7 : memref<64x128xf32, #tpu.memory_space<vmem>>)
      %dma_start3A_93 = arith.constant 3 : i32
      %dma_start3A_94 = arith.constant 0 : i32
      %dma_start3A_95 = tpu.memref_slice %arg10[%dma_start3A_93, %dma_start3A_94] : memref<8x64xi32, #tpu.memory_space<vmem>> -> memref<1x64xi32, #tpu.memory_space<vmem>>
      %dma_start3A_96 = tpu.memref_squeeze %dma_start3A_95 : memref<1x64xi32, #tpu.memory_space<vmem>> -> memref<64xi32, #tpu.memory_space<vmem>>
      %dma_start3A_97 = arith.constant 0 : i32
      %dma_start3A_98 = arith.constant 0 : i32
      %dma_start3A_99 = tpu.memref_slice %arg12[%dma_start3A_97, %dma_start3A_98] : memref<10240x128xf32, #tpu.memory_space<vmem_shared>> -> memref<10240x128xf32, #tpu.memory_space<vmem_shared>>
      tpu.enqueue_indirect_dma source(%arg7 : memref<64x128xf32, #tpu.memory_space<vmem>>) target(%dma_start3A_99 : memref<10240x128xf32, #tpu.memory_space<vmem_shared>>) offsets(%dma_start3A_96 : memref<64xi32, #tpu.memory_space<vmem>>) semaphore(%arg20 : memref<!tpu.dma_semaphore, #tpu.memory_space<semaphore_mem>>) {add = true}
      %dma_wait3A_100 = arith.constant 0 : i32
      %dma_wait3A_101 = arith.constant 0 : i32
      %dma_wait3A_102 = tpu.memref_slice %arg2[%dma_wait3A_100, %dma_wait3A_101] : memref<10000x128xf32, #tpu.memory_space<hbm>> -> memref<64x128xf32, #tpu.memory_space<hbm>>
      %dma_wait3A_103 = arith.constant 0 : i32
      %dma_wait3A_104 = arith.constant 0 : i32
      %dma_wait3A_105 = tpu.memref_slice %arg2[%dma_wait3A_103, %dma_wait3A_104] : memref<10000x128xf32, #tpu.memory_space<hbm>> -> memref<64x128xf32, #tpu.memory_space<hbm>>
      tpu.wait_dma2 semaphore(%arg17 : memref<!tpu.dma_semaphore, #tpu.memory_space<semaphore_mem>>) src(%dma_wait3A_105 : memref<64x128xf32, #tpu.memory_space<hbm>>) dst(%arg8 : memref<64x128xf32, #tpu.memory_space<vmem>>)
      %dma_start3A_106 = arith.constant 5 : i32
      %dma_start3A_107 = arith.constant 0 : i32
      %dma_start3A_108 = tpu.memref_slice %arg10[%dma_start3A_106, %dma_start3A_107] : memref<8x64xi32, #tpu.memory_space<vmem>> -> memref<1x64xi32, #tpu.memory_space<vmem>>
      %dma_start3A_109 = tpu.memref_squeeze %dma_start3A_108 : memref<1x64xi32, #tpu.memory_space<vmem>> -> memref<64xi32, #tpu.memory_space<vmem>>
      %dma_start3A_110 = arith.constant 0 : i32
      %dma_start3A_111 = arith.constant 0 : i32
      %dma_start3A_112 = tpu.memref_slice %arg12[%dma_start3A_110, %dma_start3A_111] : memref<10240x128xf32, #tpu.memory_space<vmem_shared>> -> memref<10240x128xf32, #tpu.memory_space<vmem_shared>>
      tpu.enqueue_indirect_dma source(%arg8 : memref<64x128xf32, #tpu.memory_space<vmem>>) target(%dma_start3A_112 : memref<10240x128xf32, #tpu.memory_space<vmem_shared>>) offsets(%dma_start3A_109 : memref<64xi32, #tpu.memory_space<vmem>>) semaphore(%arg21 : memref<!tpu.dma_semaphore, #tpu.memory_space<semaphore_mem>>) {add = true}
      %dma_wait3A_113 = arith.constant 0 : i32
      %dma_wait3A_114 = arith.constant 0 : i32
      %dma_wait3A_115 = tpu.memref_slice %arg2[%dma_wait3A_113, %dma_wait3A_114] : memref<10000x128xf32, #tpu.memory_space<hbm>> -> memref<64x128xf32, #tpu.memory_space<hbm>>
      %dma_wait3A_116 = arith.constant 0 : i32
      %dma_wait3A_117 = arith.constant 0 : i32
      %dma_wait3A_118 = tpu.memref_slice %arg2[%dma_wait3A_116, %dma_wait3A_117] : memref<10000x128xf32, #tpu.memory_space<hbm>> -> memref<64x128xf32, #tpu.memory_space<hbm>>
      tpu.wait_dma2 semaphore(%arg18 : memref<!tpu.dma_semaphore, #tpu.memory_space<semaphore_mem>>) src(%dma_wait3A_118 : memref<64x128xf32, #tpu.memory_space<hbm>>) dst(%arg9 : memref<64x128xf32, #tpu.memory_space<vmem>>)
      %dma_start3A_119 = arith.constant 7 : i32
      %dma_start3A_120 = arith.constant 0 : i32
      %dma_start3A_121 = tpu.memref_slice %arg10[%dma_start3A_119, %dma_start3A_120] : memref<8x64xi32, #tpu.memory_space<vmem>> -> memref<1x64xi32, #tpu.memory_space<vmem>>
      %dma_start3A_122 = tpu.memref_squeeze %dma_start3A_121 : memref<1x64xi32, #tpu.memory_space<vmem>> -> memref<64xi32, #tpu.memory_space<vmem>>
      %dma_start3A_123 = arith.constant 0 : i32
      %dma_start3A_124 = arith.constant 0 : i32
      %dma_start3A_125 = tpu.memref_slice %arg12[%dma_start3A_123, %dma_start3A_124] : memref<10240x128xf32, #tpu.memory_space<vmem_shared>> -> memref<10240x128xf32, #tpu.memory_space<vmem_shared>>
      tpu.enqueue_indirect_dma source(%arg9 : memref<64x128xf32, #tpu.memory_space<vmem>>) target(%dma_start3A_125 : memref<10240x128xf32, #tpu.memory_space<vmem_shared>>) offsets(%dma_start3A_122 : memref<64xi32, #tpu.memory_space<vmem>>) semaphore(%arg22 : memref<!tpu.dma_semaphore, #tpu.memory_space<semaphore_mem>>) {add = true}
      %lt3A = arith.constant 39 : i32
      %lt3A_126 = arith.cmpi slt, %mul3A_73, %lt3A : i32
      %convert_element_type3A = arith.extui %lt3A_126 : i1 to i32
      %cond3A = arith.constant 0 : i32
      %cond3A_127 = arith.cmpi ne, %convert_element_type3A, %cond3A : i32
      scf.if %cond3A_127 {
        %dma_wait3A_295 = arith.constant 0 : i32
        %dma_wait3A_296 = arith.constant 0 : i32
        %dma_wait3A_297 = arith.constant 0 : i32
        %dma_wait3A_298 = tpu.memref_slice %arg3[%dma_wait3A_295, %dma_wait3A_296, %dma_wait3A_297] : memref<1280x8x64xi32, #tpu.memory_space<hbm>> -> memref<1x8x64xi32, #tpu.memory_space<hbm>>
        %dma_wait3A_299 = tpu.memref_squeeze %dma_wait3A_298 : memref<1x8x64xi32, #tpu.memory_space<hbm>> -> memref<8x64xi32, #tpu.memory_space<hbm>>
        %dma_wait3A_300 = arith.constant 0 : i32
        %dma_wait3A_301 = arith.constant 0 : i32
        %dma_wait3A_302 = tpu.memref_slice %arg3[%dma_wait3A_295, %dma_wait3A_300, %dma_wait3A_301] : memref<1280x8x64xi32, #tpu.memory_space<hbm>> -> memref<1x8x64xi32, #tpu.memory_space<hbm>>
        %dma_wait3A_303 = tpu.memref_squeeze %dma_wait3A_302 : memref<1x8x64xi32, #tpu.memory_space<hbm>> -> memref<8x64xi32, #tpu.memory_space<hbm>>
        tpu.wait_dma2 semaphore(%arg13 : memref<!tpu.dma_semaphore, #tpu.memory_space<semaphore_mem>>) src(%dma_wait3A_303 : memref<8x64xi32, #tpu.memory_space<hbm>>) dst(%arg11 : memref<8x64xi32, #tpu.memory_space<vmem>>)
      } else {
      }
      %dma_wait3A_128 = arith.constant 1 : i32
      %dma_wait3A_129 = arith.constant 0 : i32
      %dma_wait3A_130 = tpu.memref_slice %arg10[%dma_wait3A_128, %dma_wait3A_129] : memref<8x64xi32, #tpu.memory_space<vmem>> -> memref<1x64xi32, #tpu.memory_space<vmem>>
      %dma_wait3A_131 = tpu.memref_squeeze %dma_wait3A_130 : memref<1x64xi32, #tpu.memory_space<vmem>> -> memref<64xi32, #tpu.memory_space<vmem>>
      %dma_wait3A_132 = arith.constant 0 : i32
      %dma_wait3A_133 = arith.constant 0 : i32
      %dma_wait3A_134 = tpu.memref_slice %arg12[%dma_wait3A_132, %dma_wait3A_133] : memref<10240x128xf32, #tpu.memory_space<vmem_shared>> -> memref<10240x128xf32, #tpu.memory_space<vmem_shared>>
      tpu.wait_indirect_dma semaphore(%arg19 : memref<!tpu.dma_semaphore, #tpu.memory_space<semaphore_mem>>) src(%arg6 : memref<64x128xf32, #tpu.memory_space<vmem>>) dst(%dma_wait3A_134 : memref<10240x128xf32, #tpu.memory_space<vmem_shared>>)
      %lt3A_135 = arith.constant 39 : i32
      %lt3A_136 = arith.cmpi slt, %mul3A_73, %lt3A_135 : i32
      %convert_element_type3A_137 = arith.extui %lt3A_136 : i1 to i32
      %cond3A_138 = arith.constant 0 : i32
      %cond3A_139 = arith.cmpi ne, %convert_element_type3A_137, %cond3A_138 : i32
      scf.if %cond3A_139 {
        %dma_start3A_295 = arith.constant 0 : i32
        %dma_start3A_296 = arith.constant 0 : i32
        %dma_start3A_297 = tpu.memref_slice %arg11[%dma_start3A_295, %dma_start3A_296] : memref<8x64xi32, #tpu.memory_space<vmem>> -> memref<1x64xi32, #tpu.memory_space<vmem>>
        %dma_start3A_298 = tpu.memref_squeeze %dma_start3A_297 : memref<1x64xi32, #tpu.memory_space<vmem>> -> memref<64xi32, #tpu.memory_space<vmem>>
        %dma_start3A_299 = arith.constant 0 : i32
        %dma_start3A_300 = arith.constant 0 : i32
        %dma_start3A_301 = tpu.memref_slice %arg2[%dma_start3A_299, %dma_start3A_300] : memref<10000x128xf32, #tpu.memory_space<hbm>> -> memref<10000x128xf32, #tpu.memory_space<hbm>>
        tpu.enqueue_indirect_dma source(%dma_start3A_301 : memref<10000x128xf32, #tpu.memory_space<hbm>>) target(%arg6 : memref<64x128xf32, #tpu.memory_space<vmem>>) offsets(%dma_start3A_298 : memref<64xi32, #tpu.memory_space<vmem>>) semaphore(%arg15 : memref<!tpu.dma_semaphore, #tpu.memory_space<semaphore_mem>>)
      } else {
      }
      %dma_wait3A_140 = arith.constant 3 : i32
      %dma_wait3A_141 = arith.constant 0 : i32
      %dma_wait3A_142 = tpu.memref_slice %arg10[%dma_wait3A_140, %dma_wait3A_141] : memref<8x64xi32, #tpu.memory_space<vmem>> -> memref<1x64xi32, #tpu.memory_space<vmem>>
      %dma_wait3A_143 = tpu.memref_squeeze %dma_wait3A_142 : memref<1x64xi32, #tpu.memory_space<vmem>> -> memref<64xi32, #tpu.memory_space<vmem>>
      %dma_wait3A_144 = arith.constant 0 : i32
      %dma_wait3A_145 = arith.constant 0 : i32
      %dma_wait3A_146 = tpu.memref_slice %arg12[%dma_wait3A_144, %dma_wait3A_145] : memref<10240x128xf32, #tpu.memory_space<vmem_shared>> -> memref<10240x128xf32, #tpu.memory_space<vmem_shared>>
      tpu.wait_indirect_dma semaphore(%arg20 : memref<!tpu.dma_semaphore, #tpu.memory_space<semaphore_mem>>) src(%arg7 : memref<64x128xf32, #tpu.memory_space<vmem>>) dst(%dma_wait3A_146 : memref<10240x128xf32, #tpu.memory_space<vmem_shared>>)
      %lt3A_147 = arith.constant 39 : i32
      %lt3A_148 = arith.cmpi slt, %mul3A_73, %lt3A_147 : i32
      %convert_element_type3A_149 = arith.extui %lt3A_148 : i1 to i32
      %cond3A_150 = arith.constant 0 : i32
      %cond3A_151 = arith.cmpi ne, %convert_element_type3A_149, %cond3A_150 : i32
      scf.if %cond3A_151 {
        %dma_start3A_295 = arith.constant 2 : i32
        %dma_start3A_296 = arith.constant 0 : i32
        %dma_start3A_297 = tpu.memref_slice %arg11[%dma_start3A_295, %dma_start3A_296] : memref<8x64xi32, #tpu.memory_space<vmem>> -> memref<1x64xi32, #tpu.memory_space<vmem>>
        %dma_start3A_298 = tpu.memref_squeeze %dma_start3A_297 : memref<1x64xi32, #tpu.memory_space<vmem>> -> memref<64xi32, #tpu.memory_space<vmem>>
        %dma_start3A_299 = arith.constant 0 : i32
        %dma_start3A_300 = arith.constant 0 : i32
        %dma_start3A_301 = tpu.memref_slice %arg2[%dma_start3A_299, %dma_start3A_300] : memref<10000x128xf32, #tpu.memory_space<hbm>> -> memref<10000x128xf32, #tpu.memory_space<hbm>>
        tpu.enqueue_indirect_dma source(%dma_start3A_301 : memref<10000x128xf32, #tpu.memory_space<hbm>>) target(%arg7 : memref<64x128xf32, #tpu.memory_space<vmem>>) offsets(%dma_start3A_298 : memref<64xi32, #tpu.memory_space<vmem>>) semaphore(%arg16 : memref<!tpu.dma_semaphore, #tpu.memory_space<semaphore_mem>>)
      } else {
      }
      %dma_wait3A_152 = arith.constant 5 : i32
      %dma_wait3A_153 = arith.constant 0 : i32
      %dma_wait3A_154 = tpu.memref_slice %arg10[%dma_wait3A_152, %dma_wait3A_153] : memref<8x64xi32, #tpu.memory_space<vmem>> -> memref<1x64xi32, #tpu.memory_space<vmem>>
      %dma_wait3A_155 = tpu.memref_squeeze %dma_wait3A_154 : memref<1x64xi32, #tpu.memory_space<vmem>> -> memref<64xi32, #tpu.memory_space<vmem>>
      %dma_wait3A_156 = arith.constant 0 : i32
      %dma_wait3A_157 = arith.constant 0 : i32
      %dma_wait3A_158 = tpu.memref_slice %arg12[%dma_wait3A_156, %dma_wait3A_157] : memref<10240x128xf32, #tpu.memory_space<vmem_shared>> -> memref<10240x128xf32, #tpu.memory_space<vmem_shared>>
      tpu.wait_indirect_dma semaphore(%arg21 : memref<!tpu.dma_semaphore, #tpu.memory_space<semaphore_mem>>) src(%arg8 : memref<64x128xf32, #tpu.memory_space<vmem>>) dst(%dma_wait3A_158 : memref<10240x128xf32, #tpu.memory_space<vmem_shared>>)
      %lt3A_159 = arith.constant 39 : i32
      %lt3A_160 = arith.cmpi slt, %mul3A_73, %lt3A_159 : i32
      %convert_element_type3A_161 = arith.extui %lt3A_160 : i1 to i32
      %cond3A_162 = arith.constant 0 : i32
      %cond3A_163 = arith.cmpi ne, %convert_element_type3A_161, %cond3A_162 : i32
      scf.if %cond3A_163 {
        %dma_start3A_295 = arith.constant 4 : i32
        %dma_start3A_296 = arith.constant 0 : i32
        %dma_start3A_297 = tpu.memref_slice %arg11[%dma_start3A_295, %dma_start3A_296] : memref<8x64xi32, #tpu.memory_space<vmem>> -> memref<1x64xi32, #tpu.memory_space<vmem>>
        %dma_start3A_298 = tpu.memref_squeeze %dma_start3A_297 : memref<1x64xi32, #tpu.memory_space<vmem>> -> memref<64xi32, #tpu.memory_space<vmem>>
        %dma_start3A_299 = arith.constant 0 : i32
        %dma_start3A_300 = arith.constant 0 : i32
        %dma_start3A_301 = tpu.memref_slice %arg2[%dma_start3A_299, %dma_start3A_300] : memref<10000x128xf32, #tpu.memory_space<hbm>> -> memref<10000x128xf32, #tpu.memory_space<hbm>>
        tpu.enqueue_indirect_dma source(%dma_start3A_301 : memref<10000x128xf32, #tpu.memory_space<hbm>>) target(%arg8 : memref<64x128xf32, #tpu.memory_space<vmem>>) offsets(%dma_start3A_298 : memref<64xi32, #tpu.memory_space<vmem>>) semaphore(%arg17 : memref<!tpu.dma_semaphore, #tpu.memory_space<semaphore_mem>>)
      } else {
      }
      %dma_wait3A_164 = arith.constant 7 : i32
      %dma_wait3A_165 = arith.constant 0 : i32
      %dma_wait3A_166 = tpu.memref_slice %arg10[%dma_wait3A_164, %dma_wait3A_165] : memref<8x64xi32, #tpu.memory_space<vmem>> -> memref<1x64xi32, #tpu.memory_space<vmem>>
      %dma_wait3A_167 = tpu.memref_squeeze %dma_wait3A_166 : memref<1x64xi32, #tpu.memory_space<vmem>> -> memref<64xi32, #tpu.memory_space<vmem>>
      %dma_wait3A_168 = arith.constant 0 : i32
      %dma_wait3A_169 = arith.constant 0 : i32
      %dma_wait3A_170 = tpu.memref_slice %arg12[%dma_wait3A_168, %dma_wait3A_169] : memref<10240x128xf32, #tpu.memory_space<vmem_shared>> -> memref<10240x128xf32, #tpu.memory_space<vmem_shared>>
      tpu.wait_indirect_dma semaphore(%arg22 : memref<!tpu.dma_semaphore, #tpu.memory_space<semaphore_mem>>) src(%arg9 : memref<64x128xf32, #tpu.memory_space<vmem>>) dst(%dma_wait3A_170 : memref<10240x128xf32, #tpu.memory_space<vmem_shared>>)
      %lt3A_171 = arith.constant 39 : i32
      %lt3A_172 = arith.cmpi slt, %mul3A_73, %lt3A_171 : i32
      %convert_element_type3A_173 = arith.extui %lt3A_172 : i1 to i32
      %cond3A_174 = arith.constant 0 : i32
      %cond3A_175 = arith.cmpi ne, %convert_element_type3A_173, %cond3A_174 : i32
      scf.if %cond3A_175 {
        %dma_start3A_295 = arith.constant 6 : i32
        %dma_start3A_296 = arith.constant 0 : i32
        %dma_start3A_297 = tpu.memref_slice %arg11[%dma_start3A_295, %dma_start3A_296] : memref<8x64xi32, #tpu.memory_space<vmem>> -> memref<1x64xi32, #tpu.memory_space<vmem>>
        %dma_start3A_298 = tpu.memref_squeeze %dma_start3A_297 : memref<1x64xi32, #tpu.memory_space<vmem>> -> memref<64xi32, #tpu.memory_space<vmem>>
        %dma_start3A_299 = arith.constant 0 : i32
        %dma_start3A_300 = arith.constant 0 : i32
        %dma_start3A_301 = tpu.memref_slice %arg2[%dma_start3A_299, %dma_start3A_300] : memref<10000x128xf32, #tpu.memory_space<hbm>> -> memref<10000x128xf32, #tpu.memory_space<hbm>>
        tpu.enqueue_indirect_dma source(%dma_start3A_301 : memref<10000x128xf32, #tpu.memory_space<hbm>>) target(%arg9 : memref<64x128xf32, #tpu.memory_space<vmem>>) offsets(%dma_start3A_298 : memref<64xi32, #tpu.memory_space<vmem>>) semaphore(%arg18 : memref<!tpu.dma_semaphore, #tpu.memory_space<semaphore_mem>>)
      } else {
      }
      %lt3A_176 = arith.constant 38 : i32
      %lt3A_177 = arith.cmpi slt, %mul3A_73, %lt3A_176 : i32
      %convert_element_type3A_178 = arith.extui %lt3A_177 : i1 to i32
      %cond3A_179 = arith.constant 0 : i32
      %cond3A_180 = arith.cmpi ne, %convert_element_type3A_178, %cond3A_179 : i32
      scf.if %cond3A_180 {
        %add3A_295 = arith.addi %mul3A_2, %mul3A_73 : i32
        %add3A_296 = arith.constant 2 : i32
        %add3A_297 = arith.addi %add3A_295, %add3A_296 : i32
        %dma_start3A_298 = arith.constant 0 : i32
        %dma_start3A_299 = arith.constant 0 : i32
        %dma_start3A_300 = tpu.memref_slice %arg3[%add3A_297, %dma_start3A_298, %dma_start3A_299] : memref<1280x8x64xi32, #tpu.memory_space<hbm>> -> memref<1x8x64xi32, #tpu.memory_space<hbm>>
        %dma_start3A_301 = tpu.memref_squeeze %dma_start3A_300 : memref<1x8x64xi32, #tpu.memory_space<hbm>> -> memref<8x64xi32, #tpu.memory_space<hbm>>
        %dma_start3A_302 = arith.constant 0 : i32
        %dma_start3A_303 = arith.constant 0 : i32
        %dma_start3A_304 = tpu.memref_slice %arg3[%add3A_297, %dma_start3A_302, %dma_start3A_303] : memref<1280x8x64xi32, #tpu.memory_space<hbm>> -> memref<1x8x64xi32, #tpu.memory_space<hbm>>
        %dma_start3A_305 = tpu.memref_squeeze %dma_start3A_304 : memref<1x8x64xi32, #tpu.memory_space<hbm>> -> memref<8x64xi32, #tpu.memory_space<hbm>>
        tpu.enqueue_dma source(%dma_start3A_305 : memref<8x64xi32, #tpu.memory_space<hbm>>) target(%arg10 : memref<8x64xi32, #tpu.memory_space<vmem>>) target_semaphore(%arg13 : memref<!tpu.dma_semaphore, #tpu.memory_space<semaphore_mem>>)
      } else {
      }
      %mul3A_181 = arith.constant 2 : i32
      %mul3A_182 = arith.muli %mul3A_181, %scan3A_71 : i32
      %add3A_183 = arith.constant 1 : i32
      %add3A_184 = arith.addi %mul3A_182, %add3A_183 : i32
      %dma_wait3A_185 = arith.constant 0 : i32
      %dma_wait3A_186 = arith.constant 0 : i32
      %dma_wait3A_187 = tpu.memref_slice %arg2[%dma_wait3A_185, %dma_wait3A_186] : memref<10000x128xf32, #tpu.memory_space<hbm>> -> memref<64x128xf32, #tpu.memory_space<hbm>>
      %dma_wait3A_188 = arith.constant 0 : i32
      %dma_wait3A_189 = arith.constant 0 : i32
      %dma_wait3A_190 = tpu.memref_slice %arg2[%dma_wait3A_188, %dma_wait3A_189] : memref<10000x128xf32, #tpu.memory_space<hbm>> -> memref<64x128xf32, #tpu.memory_space<hbm>>
      tpu.wait_dma2 semaphore(%arg15 : memref<!tpu.dma_semaphore, #tpu.memory_space<semaphore_mem>>) src(%dma_wait3A_190 : memref<64x128xf32, #tpu.memory_space<hbm>>) dst(%arg6 : memref<64x128xf32, #tpu.memory_space<vmem>>)
      %dma_start3A_191 = arith.constant 1 : i32
      %dma_start3A_192 = arith.constant 0 : i32
      %dma_start3A_193 = tpu.memref_slice %arg11[%dma_start3A_191, %dma_start3A_192] : memref<8x64xi32, #tpu.memory_space<vmem>> -> memref<1x64xi32, #tpu.memory_space<vmem>>
      %dma_start3A_194 = tpu.memref_squeeze %dma_start3A_193 : memref<1x64xi32, #tpu.memory_space<vmem>> -> memref<64xi32, #tpu.memory_space<vmem>>
      %dma_start3A_195 = arith.constant 0 : i32
      %dma_start3A_196 = arith.constant 0 : i32
      %dma_start3A_197 = tpu.memref_slice %arg12[%dma_start3A_195, %dma_start3A_196] : memref<10240x128xf32, #tpu.memory_space<vmem_shared>> -> memref<10240x128xf32, #tpu.memory_space<vmem_shared>>
      tpu.enqueue_indirect_dma source(%arg6 : memref<64x128xf32, #tpu.memory_space<vmem>>) target(%dma_start3A_197 : memref<10240x128xf32, #tpu.memory_space<vmem_shared>>) offsets(%dma_start3A_194 : memref<64xi32, #tpu.memory_space<vmem>>) semaphore(%arg19 : memref<!tpu.dma_semaphore, #tpu.memory_space<semaphore_mem>>) {add = true}
      %dma_wait3A_198 = arith.constant 0 : i32
      %dma_wait3A_199 = arith.constant 0 : i32
      %dma_wait3A_200 = tpu.memref_slice %arg2[%dma_wait3A_198, %dma_wait3A_199] : memref<10000x128xf32, #tpu.memory_space<hbm>> -> memref<64x128xf32, #tpu.memory_space<hbm>>
      %dma_wait3A_201 = arith.constant 0 : i32
      %dma_wait3A_202 = arith.constant 0 : i32
      %dma_wait3A_203 = tpu.memref_slice %arg2[%dma_wait3A_201, %dma_wait3A_202] : memref<10000x128xf32, #tpu.memory_space<hbm>> -> memref<64x128xf32, #tpu.memory_space<hbm>>
      tpu.wait_dma2 semaphore(%arg16 : memref<!tpu.dma_semaphore, #tpu.memory_space<semaphore_mem>>) src(%dma_wait3A_203 : memref<64x128xf32, #tpu.memory_space<hbm>>) dst(%arg7 : memref<64x128xf32, #tpu.memory_space<vmem>>)
      %dma_start3A_204 = arith.constant 3 : i32
      %dma_start3A_205 = arith.constant 0 : i32
      %dma_start3A_206 = tpu.memref_slice %arg11[%dma_start3A_204, %dma_start3A_205] : memref<8x64xi32, #tpu.memory_space<vmem>> -> memref<1x64xi32, #tpu.memory_space<vmem>>
      %dma_start3A_207 = tpu.memref_squeeze %dma_start3A_206 : memref<1x64xi32, #tpu.memory_space<vmem>> -> memref<64xi32, #tpu.memory_space<vmem>>
      %dma_start3A_208 = arith.constant 0 : i32
      %dma_start3A_209 = arith.constant 0 : i32
      %dma_start3A_210 = tpu.memref_slice %arg12[%dma_start3A_208, %dma_start3A_209] : memref<10240x128xf32, #tpu.memory_space<vmem_shared>> -> memref<10240x128xf32, #tpu.memory_space<vmem_shared>>
      tpu.enqueue_indirect_dma source(%arg7 : memref<64x128xf32, #tpu.memory_space<vmem>>) target(%dma_start3A_210 : memref<10240x128xf32, #tpu.memory_space<vmem_shared>>) offsets(%dma_start3A_207 : memref<64xi32, #tpu.memory_space<vmem>>) semaphore(%arg20 : memref<!tpu.dma_semaphore, #tpu.memory_space<semaphore_mem>>) {add = true}
      %dma_wait3A_211 = arith.constant 0 : i32
      %dma_wait3A_212 = arith.constant 0 : i32
      %dma_wait3A_213 = tpu.memref_slice %arg2[%dma_wait3A_211, %dma_wait3A_212] : memref<10000x128xf32, #tpu.memory_space<hbm>> -> memref<64x128xf32, #tpu.memory_space<hbm>>
      %dma_wait3A_214 = arith.constant 0 : i32
      %dma_wait3A_215 = arith.constant 0 : i32
      %dma_wait3A_216 = tpu.memref_slice %arg2[%dma_wait3A_214, %dma_wait3A_215] : memref<10000x128xf32, #tpu.memory_space<hbm>> -> memref<64x128xf32, #tpu.memory_space<hbm>>
      tpu.wait_dma2 semaphore(%arg17 : memref<!tpu.dma_semaphore, #tpu.memory_space<semaphore_mem>>) src(%dma_wait3A_216 : memref<64x128xf32, #tpu.memory_space<hbm>>) dst(%arg8 : memref<64x128xf32, #tpu.memory_space<vmem>>)
      %dma_start3A_217 = arith.constant 5 : i32
      %dma_start3A_218 = arith.constant 0 : i32
      %dma_start3A_219 = tpu.memref_slice %arg11[%dma_start3A_217, %dma_start3A_218] : memref<8x64xi32, #tpu.memory_space<vmem>> -> memref<1x64xi32, #tpu.memory_space<vmem>>
      %dma_start3A_220 = tpu.memref_squeeze %dma_start3A_219 : memref<1x64xi32, #tpu.memory_space<vmem>> -> memref<64xi32, #tpu.memory_space<vmem>>
      %dma_start3A_221 = arith.constant 0 : i32
      %dma_start3A_222 = arith.constant 0 : i32
      %dma_start3A_223 = tpu.memref_slice %arg12[%dma_start3A_221, %dma_start3A_222] : memref<10240x128xf32, #tpu.memory_space<vmem_shared>> -> memref<10240x128xf32, #tpu.memory_space<vmem_shared>>
      tpu.enqueue_indirect_dma source(%arg8 : memref<64x128xf32, #tpu.memory_space<vmem>>) target(%dma_start3A_223 : memref<10240x128xf32, #tpu.memory_space<vmem_shared>>) offsets(%dma_start3A_220 : memref<64xi32, #tpu.memory_space<vmem>>) semaphore(%arg21 : memref<!tpu.dma_semaphore, #tpu.memory_space<semaphore_mem>>) {add = true}
      %dma_wait3A_224 = arith.constant 0 : i32
      %dma_wait3A_225 = arith.constant 0 : i32
      %dma_wait3A_226 = tpu.memref_slice %arg2[%dma_wait3A_224, %dma_wait3A_225] : memref<10000x128xf32, #tpu.memory_space<hbm>> -> memref<64x128xf32, #tpu.memory_space<hbm>>
      %dma_wait3A_227 = arith.constant 0 : i32
      %dma_wait3A_228 = arith.constant 0 : i32
      %dma_wait3A_229 = tpu.memref_slice %arg2[%dma_wait3A_227, %dma_wait3A_228] : memref<10000x128xf32, #tpu.memory_space<hbm>> -> memref<64x128xf32, #tpu.memory_space<hbm>>
      tpu.wait_dma2 semaphore(%arg18 : memref<!tpu.dma_semaphore, #tpu.memory_space<semaphore_mem>>) src(%dma_wait3A_229 : memref<64x128xf32, #tpu.memory_space<hbm>>) dst(%arg9 : memref<64x128xf32, #tpu.memory_space<vmem>>)
      %dma_start3A_230 = arith.constant 7 : i32
      %dma_start3A_231 = arith.constant 0 : i32
      %dma_start3A_232 = tpu.memref_slice %arg11[%dma_start3A_230, %dma_start3A_231] : memref<8x64xi32, #tpu.memory_space<vmem>> -> memref<1x64xi32, #tpu.memory_space<vmem>>
      %dma_start3A_233 = tpu.memref_squeeze %dma_start3A_232 : memref<1x64xi32, #tpu.memory_space<vmem>> -> memref<64xi32, #tpu.memory_space<vmem>>
      %dma_start3A_234 = arith.constant 0 : i32
      %dma_start3A_235 = arith.constant 0 : i32
      %dma_start3A_236 = tpu.memref_slice %arg12[%dma_start3A_234, %dma_start3A_235] : memref<10240x128xf32, #tpu.memory_space<vmem_shared>> -> memref<10240x128xf32, #tpu.memory_space<vmem_shared>>
      tpu.enqueue_indirect_dma source(%arg9 : memref<64x128xf32, #tpu.memory_space<vmem>>) target(%dma_start3A_236 : memref<10240x128xf32, #tpu.memory_space<vmem_shared>>) offsets(%dma_start3A_233 : memref<64xi32, #tpu.memory_space<vmem>>) semaphore(%arg22 : memref<!tpu.dma_semaphore, #tpu.memory_space<semaphore_mem>>) {add = true}
      %lt3A_237 = arith.constant 39 : i32
      %lt3A_238 = arith.cmpi slt, %add3A_184, %lt3A_237 : i32
      %convert_element_type3A_239 = arith.extui %lt3A_238 : i1 to i32
      %cond3A_240 = arith.constant 0 : i32
      %cond3A_241 = arith.cmpi ne, %convert_element_type3A_239, %cond3A_240 : i32
      scf.if %cond3A_241 {
        %dma_wait3A_295 = arith.constant 0 : i32
        %dma_wait3A_296 = arith.constant 0 : i32
        %dma_wait3A_297 = arith.constant 0 : i32
        %dma_wait3A_298 = tpu.memref_slice %arg3[%dma_wait3A_295, %dma_wait3A_296, %dma_wait3A_297] : memref<1280x8x64xi32, #tpu.memory_space<hbm>> -> memref<1x8x64xi32, #tpu.memory_space<hbm>>
        %dma_wait3A_299 = tpu.memref_squeeze %dma_wait3A_298 : memref<1x8x64xi32, #tpu.memory_space<hbm>> -> memref<8x64xi32, #tpu.memory_space<hbm>>
        %dma_wait3A_300 = arith.constant 0 : i32
        %dma_wait3A_301 = arith.constant 0 : i32
        %dma_wait3A_302 = tpu.memref_slice %arg3[%dma_wait3A_295, %dma_wait3A_300, %dma_wait3A_301] : memref<1280x8x64xi32, #tpu.memory_space<hbm>> -> memref<1x8x64xi32, #tpu.memory_space<hbm>>
        %dma_wait3A_303 = tpu.memref_squeeze %dma_wait3A_302 : memref<1x8x64xi32, #tpu.memory_space<hbm>> -> memref<8x64xi32, #tpu.memory_space<hbm>>
        tpu.wait_dma2 semaphore(%arg13 : memref<!tpu.dma_semaphore, #tpu.memory_space<semaphore_mem>>) src(%dma_wait3A_303 : memref<8x64xi32, #tpu.memory_space<hbm>>) dst(%arg10 : memref<8x64xi32, #tpu.memory_space<vmem>>)
      } else {
      }
      %dma_wait3A_242 = arith.constant 1 : i32
      %dma_wait3A_243 = arith.constant 0 : i32
      %dma_wait3A_244 = tpu.memref_slice %arg11[%dma_wait3A_242, %dma_wait3A_243] : memref<8x64xi32, #tpu.memory_space<vmem>> -> memref<1x64xi32, #tpu.memory_space<vmem>>
      %dma_wait3A_245 = tpu.memref_squeeze %dma_wait3A_244 : memref<1x64xi32, #tpu.memory_space<vmem>> -> memref<64xi32, #tpu.memory_space<vmem>>
      %dma_wait3A_246 = arith.constant 0 : i32
      %dma_wait3A_247 = arith.constant 0 : i32
      %dma_wait3A_248 = tpu.memref_slice %arg12[%dma_wait3A_246, %dma_wait3A_247] : memref<10240x128xf32, #tpu.memory_space<vmem_shared>> -> memref<10240x128xf32, #tpu.memory_space<vmem_shared>>
      tpu.wait_indirect_dma semaphore(%arg19 : memref<!tpu.dma_semaphore, #tpu.memory_space<semaphore_mem>>) src(%arg6 : memref<64x128xf32, #tpu.memory_space<vmem>>) dst(%dma_wait3A_248 : memref<10240x128xf32, #tpu.memory_space<vmem_shared>>)
      %lt3A_249 = arith.constant 39 : i32
      %lt3A_250 = arith.cmpi slt, %add3A_184, %lt3A_249 : i32
      %convert_element_type3A_251 = arith.extui %lt3A_250 : i1 to i32
      %cond3A_252 = arith.constant 0 : i32
      %cond3A_253 = arith.cmpi ne, %convert_element_type3A_251, %cond3A_252 : i32
      scf.if %cond3A_253 {
        %dma_start3A_295 = arith.constant 0 : i32
        %dma_start3A_296 = arith.constant 0 : i32
        %dma_start3A_297 = tpu.memref_slice %arg10[%dma_start3A_295, %dma_start3A_296] : memref<8x64xi32, #tpu.memory_space<vmem>> -> memref<1x64xi32, #tpu.memory_space<vmem>>
        %dma_start3A_298 = tpu.memref_squeeze %dma_start3A_297 : memref<1x64xi32, #tpu.memory_space<vmem>> -> memref<64xi32, #tpu.memory_space<vmem>>
        %dma_start3A_299 = arith.constant 0 : i32
        %dma_start3A_300 = arith.constant 0 : i32
        %dma_start3A_301 = tpu.memref_slice %arg2[%dma_start3A_299, %dma_start3A_300] : memref<10000x128xf32, #tpu.memory_space<hbm>> -> memref<10000x128xf32, #tpu.memory_space<hbm>>
        tpu.enqueue_indirect_dma source(%dma_start3A_301 : memref<10000x128xf32, #tpu.memory_space<hbm>>) target(%arg6 : memref<64x128xf32, #tpu.memory_space<vmem>>) offsets(%dma_start3A_298 : memref<64xi32, #tpu.memory_space<vmem>>) semaphore(%arg15 : memref<!tpu.dma_semaphore, #tpu.memory_space<semaphore_mem>>)
      } else {
      }
      %dma_wait3A_254 = arith.constant 3 : i32
      %dma_wait3A_255 = arith.constant 0 : i32
      %dma_wait3A_256 = tpu.memref_slice %arg11[%dma_wait3A_254, %dma_wait3A_255] : memref<8x64xi32, #tpu.memory_space<vmem>> -> memref<1x64xi32, #tpu.memory_space<vmem>>
      %dma_wait3A_257 = tpu.memref_squeeze %dma_wait3A_256 : memref<1x64xi32, #tpu.memory_space<vmem>> -> memref<64xi32, #tpu.memory_space<vmem>>
      %dma_wait3A_258 = arith.constant 0 : i32
      %dma_wait3A_259 = arith.constant 0 : i32
      %dma_wait3A_260 = tpu.memref_slice %arg12[%dma_wait3A_258, %dma_wait3A_259] : memref<10240x128xf32, #tpu.memory_space<vmem_shared>> -> memref<10240x128xf32, #tpu.memory_space<vmem_shared>>
      tpu.wait_indirect_dma semaphore(%arg20 : memref<!tpu.dma_semaphore, #tpu.memory_space<semaphore_mem>>) src(%arg7 : memref<64x128xf32, #tpu.memory_space<vmem>>) dst(%dma_wait3A_260 : memref<10240x128xf32, #tpu.memory_space<vmem_shared>>)
      %lt3A_261 = arith.constant 39 : i32
      %lt3A_262 = arith.cmpi slt, %add3A_184, %lt3A_261 : i32
      %convert_element_type3A_263 = arith.extui %lt3A_262 : i1 to i32
      %cond3A_264 = arith.constant 0 : i32
      %cond3A_265 = arith.cmpi ne, %convert_element_type3A_263, %cond3A_264 : i32
      scf.if %cond3A_265 {
        %dma_start3A_295 = arith.constant 2 : i32
        %dma_start3A_296 = arith.constant 0 : i32
        %dma_start3A_297 = tpu.memref_slice %arg10[%dma_start3A_295, %dma_start3A_296] : memref<8x64xi32, #tpu.memory_space<vmem>> -> memref<1x64xi32, #tpu.memory_space<vmem>>
        %dma_start3A_298 = tpu.memref_squeeze %dma_start3A_297 : memref<1x64xi32, #tpu.memory_space<vmem>> -> memref<64xi32, #tpu.memory_space<vmem>>
        %dma_start3A_299 = arith.constant 0 : i32
        %dma_start3A_300 = arith.constant 0 : i32
        %dma_start3A_301 = tpu.memref_slice %arg2[%dma_start3A_299, %dma_start3A_300] : memref<10000x128xf32, #tpu.memory_space<hbm>> -> memref<10000x128xf32, #tpu.memory_space<hbm>>
        tpu.enqueue_indirect_dma source(%dma_start3A_301 : memref<10000x128xf32, #tpu.memory_space<hbm>>) target(%arg7 : memref<64x128xf32, #tpu.memory_space<vmem>>) offsets(%dma_start3A_298 : memref<64xi32, #tpu.memory_space<vmem>>) semaphore(%arg16 : memref<!tpu.dma_semaphore, #tpu.memory_space<semaphore_mem>>)
      } else {
      }
      %dma_wait3A_266 = arith.constant 5 : i32
      %dma_wait3A_267 = arith.constant 0 : i32
      %dma_wait3A_268 = tpu.memref_slice %arg11[%dma_wait3A_266, %dma_wait3A_267] : memref<8x64xi32, #tpu.memory_space<vmem>> -> memref<1x64xi32, #tpu.memory_space<vmem>>
      %dma_wait3A_269 = tpu.memref_squeeze %dma_wait3A_268 : memref<1x64xi32, #tpu.memory_space<vmem>> -> memref<64xi32, #tpu.memory_space<vmem>>
      %dma_wait3A_270 = arith.constant 0 : i32
      %dma_wait3A_271 = arith.constant 0 : i32
      %dma_wait3A_272 = tpu.memref_slice %arg12[%dma_wait3A_270, %dma_wait3A_271] : memref<10240x128xf32, #tpu.memory_space<vmem_shared>> -> memref<10240x128xf32, #tpu.memory_space<vmem_shared>>
      tpu.wait_indirect_dma semaphore(%arg21 : memref<!tpu.dma_semaphore, #tpu.memory_space<semaphore_mem>>) src(%arg8 : memref<64x128xf32, #tpu.memory_space<vmem>>) dst(%dma_wait3A_272 : memref<10240x128xf32, #tpu.memory_space<vmem_shared>>)
      %lt3A_273 = arith.constant 39 : i32
      %lt3A_274 = arith.cmpi slt, %add3A_184, %lt3A_273 : i32
      %convert_element_type3A_275 = arith.extui %lt3A_274 : i1 to i32
      %cond3A_276 = arith.constant 0 : i32
      %cond3A_277 = arith.cmpi ne, %convert_element_type3A_275, %cond3A_276 : i32
      scf.if %cond3A_277 {
        %dma_start3A_295 = arith.constant 4 : i32
        %dma_start3A_296 = arith.constant 0 : i32
        %dma_start3A_297 = tpu.memref_slice %arg10[%dma_start3A_295, %dma_start3A_296] : memref<8x64xi32, #tpu.memory_space<vmem>> -> memref<1x64xi32, #tpu.memory_space<vmem>>
        %dma_start3A_298 = tpu.memref_squeeze %dma_start3A_297 : memref<1x64xi32, #tpu.memory_space<vmem>> -> memref<64xi32, #tpu.memory_space<vmem>>
        %dma_start3A_299 = arith.constant 0 : i32
        %dma_start3A_300 = arith.constant 0 : i32
        %dma_start3A_301 = tpu.memref_slice %arg2[%dma_start3A_299, %dma_start3A_300] : memref<10000x128xf32, #tpu.memory_space<hbm>> -> memref<10000x128xf32, #tpu.memory_space<hbm>>
        tpu.enqueue_indirect_dma source(%dma_start3A_301 : memref<10000x128xf32, #tpu.memory_space<hbm>>) target(%arg8 : memref<64x128xf32, #tpu.memory_space<vmem>>) offsets(%dma_start3A_298 : memref<64xi32, #tpu.memory_space<vmem>>) semaphore(%arg17 : memref<!tpu.dma_semaphore, #tpu.memory_space<semaphore_mem>>)
      } else {
      }
      %dma_wait3A_278 = arith.constant 7 : i32
      %dma_wait3A_279 = arith.constant 0 : i32
      %dma_wait3A_280 = tpu.memref_slice %arg11[%dma_wait3A_278, %dma_wait3A_279] : memref<8x64xi32, #tpu.memory_space<vmem>> -> memref<1x64xi32, #tpu.memory_space<vmem>>
      %dma_wait3A_281 = tpu.memref_squeeze %dma_wait3A_280 : memref<1x64xi32, #tpu.memory_space<vmem>> -> memref<64xi32, #tpu.memory_space<vmem>>
      %dma_wait3A_282 = arith.constant 0 : i32
      %dma_wait3A_283 = arith.constant 0 : i32
      %dma_wait3A_284 = tpu.memref_slice %arg12[%dma_wait3A_282, %dma_wait3A_283] : memref<10240x128xf32, #tpu.memory_space<vmem_shared>> -> memref<10240x128xf32, #tpu.memory_space<vmem_shared>>
      tpu.wait_indirect_dma semaphore(%arg22 : memref<!tpu.dma_semaphore, #tpu.memory_space<semaphore_mem>>) src(%arg9 : memref<64x128xf32, #tpu.memory_space<vmem>>) dst(%dma_wait3A_284 : memref<10240x128xf32, #tpu.memory_space<vmem_shared>>)
      %lt3A_285 = arith.constant 39 : i32
      %lt3A_286 = arith.cmpi slt, %add3A_184, %lt3A_285 : i32
      %convert_element_type3A_287 = arith.extui %lt3A_286 : i1 to i32
      %cond3A_288 = arith.constant 0 : i32
      %cond3A_289 = arith.cmpi ne, %convert_element_type3A_287, %cond3A_288 : i32
      scf.if %cond3A_289 {
        %dma_start3A_295 = arith.constant 6 : i32
        %dma_start3A_296 = arith.constant 0 : i32
        %dma_start3A_297 = tpu.memref_slice %arg10[%dma_start3A_295, %dma_start3A_296] : memref<8x64xi32, #tpu.memory_space<vmem>> -> memref<1x64xi32, #tpu.memory_space<vmem>>
        %dma_start3A_298 = tpu.memref_squeeze %dma_start3A_297 : memref<1x64xi32, #tpu.memory_space<vmem>> -> memref<64xi32, #tpu.memory_space<vmem>>
        %dma_start3A_299 = arith.constant 0 : i32
        %dma_start3A_300 = arith.constant 0 : i32
        %dma_start3A_301 = tpu.memref_slice %arg2[%dma_start3A_299, %dma_start3A_300] : memref<10000x128xf32, #tpu.memory_space<hbm>> -> memref<10000x128xf32, #tpu.memory_space<hbm>>
        tpu.enqueue_indirect_dma source(%dma_start3A_301 : memref<10000x128xf32, #tpu.memory_space<hbm>>) target(%arg9 : memref<64x128xf32, #tpu.memory_space<vmem>>) offsets(%dma_start3A_298 : memref<64xi32, #tpu.memory_space<vmem>>) semaphore(%arg18 : memref<!tpu.dma_semaphore, #tpu.memory_space<semaphore_mem>>)
      } else {
      }
      %lt3A_290 = arith.constant 38 : i32
      %lt3A_291 = arith.cmpi slt, %add3A_184, %lt3A_290 : i32
      %convert_element_type3A_292 = arith.extui %lt3A_291 : i1 to i32
      %cond3A_293 = arith.constant 0 : i32
      %cond3A_294 = arith.cmpi ne, %convert_element_type3A_292, %cond3A_293 : i32
      scf.if %cond3A_294 {
        %add3A_295 = arith.addi %mul3A_2, %add3A_184 : i32
        %add3A_296 = arith.constant 2 : i32
        %add3A_297 = arith.addi %add3A_295, %add3A_296 : i32
        %dma_start3A_298 = arith.constant 0 : i32
        %dma_start3A_299 = arith.constant 0 : i32
        %dma_start3A_300 = tpu.memref_slice %arg3[%add3A_297, %dma_start3A_298, %dma_start3A_299] : memref<1280x8x64xi32, #tpu.memory_space<hbm>> -> memref<1x8x64xi32, #tpu.memory_space<hbm>>
        %dma_start3A_301 = tpu.memref_squeeze %dma_start3A_300 : memref<1x8x64xi32, #tpu.memory_space<hbm>> -> memref<8x64xi32, #tpu.memory_space<hbm>>
        %dma_start3A_302 = arith.constant 0 : i32
        %dma_start3A_303 = arith.constant 0 : i32
        %dma_start3A_304 = tpu.memref_slice %arg3[%add3A_297, %dma_start3A_302, %dma_start3A_303] : memref<1280x8x64xi32, #tpu.memory_space<hbm>> -> memref<1x8x64xi32, #tpu.memory_space<hbm>>
        %dma_start3A_305 = tpu.memref_squeeze %dma_start3A_304 : memref<1x8x64xi32, #tpu.memory_space<hbm>> -> memref<8x64xi32, #tpu.memory_space<hbm>>
        tpu.enqueue_dma source(%dma_start3A_305 : memref<8x64xi32, #tpu.memory_space<hbm>>) target(%arg11 : memref<8x64xi32, #tpu.memory_space<vmem>>) target_semaphore(%arg13 : memref<!tpu.dma_semaphore, #tpu.memory_space<semaphore_mem>>)
      } else {
      }
    }
    %scan3A_65 = arith.constant 20 : i32
    %barrier3A_66 = arith.constant 0 : index
    tpu.barrier barrier_id(%barrier3A_66)
    %mul3A_67 = arith.constant 640 : i32
    %mul3A_68 = arith.muli %arg1, %mul3A_67 : i32
    %mul3A_69 = arith.constant 640 : i32
    %mul3A_70 = arith.muli %arg1, %mul3A_69 : i32
    "tpu.region"() ({
      %run_scoped3A = tpu.sem_alloc : memref<!tpu.dma_semaphore, #tpu.memory_space<semaphore_mem>>
      %dma_start3A_71 = arith.constant 0 : i32
      %dma_start3A_72 = arith.constant 0 : i32
      %dma_start3A_73 = tpu.memref_slice %arg5[%arg0, %dma_start3A_71, %dma_start3A_72] : memref<2x10240x128xf32, #tpu.memory_space<hbm>> -> memref<1x10240x128xf32, #tpu.memory_space<hbm>>
      %dma_start3A_74 = tpu.memref_squeeze %dma_start3A_73 : memref<1x10240x128xf32, #tpu.memory_space<hbm>> -> memref<10240x128xf32, #tpu.memory_space<hbm>>
      %dma_start3A_75 = arith.constant 0 : i32
      %dma_start3A_76 = tpu.memref_slice %dma_start3A_74[%mul3A_70, %dma_start3A_75] : memref<10240x128xf32, #tpu.memory_space<hbm>> -> memref<640x128xf32, #tpu.memory_space<hbm>>
      %dma_start3A_77 = arith.constant 0 : i32
      %dma_start3A_78 = tpu.memref_slice %arg12[%mul3A_68, %dma_start3A_77] : memref<10240x128xf32, #tpu.memory_space<vmem_shared>> -> memref<640x128xf32, #tpu.memory_space<vmem_shared>>
      tpu.enqueue_dma source(%dma_start3A_78 : memref<640x128xf32, #tpu.memory_space<vmem_shared>>) target(%dma_start3A_76 : memref<640x128xf32, #tpu.memory_space<hbm>>) target_semaphore(%run_scoped3A : memref<!tpu.dma_semaphore, #tpu.memory_space<semaphore_mem>>)
      %dma_wait3A_79 = arith.constant 0 : i32
      %dma_wait3A_80 = arith.constant 0 : i32
      %dma_wait3A_81 = tpu.memref_slice %arg5[%arg0, %dma_wait3A_79, %dma_wait3A_80] : memref<2x10240x128xf32, #tpu.memory_space<hbm>> -> memref<1x10240x128xf32, #tpu.memory_space<hbm>>
      %dma_wait3A_82 = tpu.memref_squeeze %dma_wait3A_81 : memref<1x10240x128xf32, #tpu.memory_space<hbm>> -> memref<10240x128xf32, #tpu.memory_space<hbm>>
      %dma_wait3A_83 = arith.constant 0 : i32
      %dma_wait3A_84 = tpu.memref_slice %dma_wait3A_82[%mul3A_70, %dma_wait3A_83] : memref<10240x128xf32, #tpu.memory_space<hbm>> -> memref<640x128xf32, #tpu.memory_space<hbm>>
      %dma_wait3A_85 = arith.constant 0 : i32
      %dma_wait3A_86 = tpu.memref_slice %arg12[%mul3A_68, %dma_wait3A_85] : memref<10240x128xf32, #tpu.memory_space<vmem_shared>> -> memref<640x128xf32, #tpu.memory_space<vmem_shared>>
      tpu.wait_dma2 semaphore(%run_scoped3A : memref<!tpu.dma_semaphore, #tpu.memory_space<semaphore_mem>>) src(%dma_wait3A_86 : memref<640x128xf32, #tpu.memory_space<vmem_shared>>) dst(%dma_wait3A_84 : memref<640x128xf32, #tpu.memory_space<hbm>>)
      tpu.yield
    }) : () -> ()
    return
  }
}

module attributes {stable_mosaic.version = 14 : i64} {
  func.func @_tc1_body(%arg0: i32, %arg1: memref<2048x128xf32, #tpu.memory_space<vmem>>, %arg2: memref<128x128xf32, #tpu.memory_space<vmem>>, %arg3: memref<1x128xf32, #tpu.memory_space<vmem>>, %arg4: memref<32x2048xf32, #tpu.memory_space<vmem>>, %arg5: memref<2048x128xf32, #tpu.memory_space<vmem>>) attributes {dimension_semantics = [#tpu.dimension_semantics<arbitrary>], iteration_bounds = array<i64: 5>, scalar_prefetch = 0 : i64, scratch_operands = 0 : i64, tpu.core_type = #tpu.core_type<tc>, window_params = [{transform_indices = @transform_0, window_bounds = array<i64: 2048, 128>}, {pipeline_mode = #tpu.pipeline_mode<synchronous>, transform_indices = @transform_1, window_bounds = array<i64: 128, 128>}, {pipeline_mode = #tpu.pipeline_mode<synchronous>, transform_indices = @transform_2, window_bounds = array<i64: 1, 128>}, {transform_indices = @transform_3, window_bounds = array<i64: 32, 2048>}, {transform_indices = @transform_4, window_bounds = array<i64: 2048, 128>}]} {
    %get3A = arith.constant 0 : index
    %get3A_0 = arith.constant 0 : index
    %get3A_1 = vector.load %arg1[%get3A, %get3A_0] : memref<2048x128xf32, #tpu.memory_space<vmem>>, vector<2048x128xf32>
    %get3A_2 = arith.constant 0 : index
    %get3A_3 = arith.constant 0 : index
    %get3A_4 = vector.load %arg2[%get3A_2, %get3A_3] : memref<128x128xf32, #tpu.memory_space<vmem>>, vector<128x128xf32>
    %dot_general3A = arith.constant dense<0.000000e+00> : vector<2048x128xf32>
    %dot_general3A_5 = tpu.matmul %get3A_1, %get3A_4, %dot_general3A {dimension_numbers = #tpu.dot_dimension_numbers<[1], [0], [0], [1], [0, 0, 1, 1], [], []>, transpose_lhs_hint = false} : vector<2048x128xf32>, vector<128x128xf32>, vector<2048x128xf32> -> vector<2048x128xf32>
    %get3A_6 = arith.constant 0 : index
    %get3A_7 = arith.constant 0 : index
    %get3A_8 = vector.load %arg3[%get3A_6, %get3A_7] : memref<1x128xf32, #tpu.memory_space<vmem>>, vector<1x128xf32>
    %add3A = vector.broadcast %get3A_8 : vector<1x128xf32> to vector<2048x128xf32>
    %add3A_9 = arith.addf %dot_general3A_5, %add3A : vector<2048x128xf32>
    %get3A_10 = arith.constant 0 : index
    %get3A_11 = arith.constant 0 : index
    %get3A_12 = vector.load %arg4[%get3A_10, %get3A_11] : memref<32x2048xf32, #tpu.memory_space<vmem>>, vector<32x2048xf32>
    %reduce_sum3A = arith.constant dense<0.000000e+00> : vector<2048xf32>
    %reduce_sum3A_13 = vector.multi_reduction <add>, %get3A_12, %reduce_sum3A [0] : vector<32x2048xf32> to vector<2048xf32>
    %broadcast_in_dim3A = vector.shape_cast %reduce_sum3A_13 : vector<2048xf32> to vector<2048x1xf32>
    %max3A = arith.constant 1.000000e+00 : f32
    %max3A_14 = vector.broadcast %max3A : f32 to vector<2048x1xf32>
    %max3A_15 = arith.maximumf %broadcast_in_dim3A, %max3A_14 : vector<2048x1xf32>
    %rsqrt3A = math.rsqrt %max3A_15 : vector<2048x1xf32>
    %mul3A = vector.broadcast %rsqrt3A : vector<2048x1xf32> to vector<2048x128xf32>
    %mul3A_16 = arith.mulf %add3A_9, %mul3A : vector<2048x128xf32>
    %swap3A = arith.constant 0 : index
    %swap3A_17 = arith.constant 0 : index
    %swap3A_18 = vector.load %arg5[%swap3A, %swap3A_17] : memref<2048x128xf32, #tpu.memory_space<vmem>>, vector<2048x128xf32>
    tpu.vector_store %arg5[%swap3A, %swap3A_17], %mul3A_16 {strides = array<i32>} : memref<2048x128xf32, #tpu.memory_space<vmem>>, vector<2048x128xf32>,
    return
  }
  func.func @transform_0(%arg0: i32) -> (i32, i32) {
    %c0_i32 = arith.constant 0 : i32
    %c0_i32_0 = arith.constant 0 : i32
    return %arg0, %c0_i32 : i32, i32
  }
  func.func @transform_1(%arg0: i32) -> (i32, i32) {
    %c0_i32 = arith.constant 0 : i32
    %c0_i32_0 = arith.constant 0 : i32
    %c0_i32_1 = arith.constant 0 : i32
    return %c0_i32, %c0_i32_0 : i32, i32
  }
  func.func @transform_2(%arg0: i32) -> (i32, i32) {
    %c0_i32 = arith.constant 0 : i32
    %c0_i32_0 = arith.constant 0 : i32
    %c0_i32_1 = arith.constant 0 : i32
    return %c0_i32, %c0_i32_0 : i32, i32
  }
  func.func @transform_3(%arg0: i32) -> (i32, i32) {
    %c0_i32 = arith.constant 0 : i32
    %c0_i32_0 = arith.constant 0 : i32
    return %c0_i32, %arg0 : i32, i32
  }
  func.func @transform_4(%arg0: i32) -> (i32, i32) {
    %c0_i32 = arith.constant 0 : i32
    %c0_i32_0 = arith.constant 0 : i32
    return %arg0, %c0_i32 : i32, i32
  }
}

module attributes {stable_mosaic.version = 14 : i64} {
  func.func @_tc2_body(%arg0: i32, %arg1: memref<2x2048x128xf32, #tpu.memory_space<vmem>>, %arg2: memref<32x2048xf32, #tpu.memory_space<vmem>>, %arg3: memref<128x128xf32, #tpu.memory_space<vmem>>, %arg4: memref<1x128xf32, #tpu.memory_space<vmem>>, %arg5: memref<2048x128xf32, #tpu.memory_space<vmem>>) attributes {dimension_semantics = [#tpu.dimension_semantics<arbitrary>], iteration_bounds = array<i64: 5>, scalar_prefetch = 0 : i64, scratch_operands = 0 : i64, tpu.core_type = #tpu.core_type<tc>, window_params = [{transform_indices = @transform_0, window_bounds = array<i64: 2, 2048, 128>}, {transform_indices = @transform_1, window_bounds = array<i64: 32, 2048>}, {pipeline_mode = #tpu.pipeline_mode<synchronous>, transform_indices = @transform_2, window_bounds = array<i64: 128, 128>}, {pipeline_mode = #tpu.pipeline_mode<synchronous>, transform_indices = @transform_3, window_bounds = array<i64: 1, 128>}, {transform_indices = @transform_4, window_bounds = array<i64: 2048, 128>}]} {
    %get3A = arith.constant 0 : index
    %get3A_0 = arith.constant 0 : index
    %get3A_1 = vector.load %arg2[%get3A, %get3A_0] : memref<32x2048xf32, #tpu.memory_space<vmem>>, vector<32x2048xf32>
    %reduce_sum3A = arith.constant dense<0.000000e+00> : vector<2048xf32>
    %reduce_sum3A_2 = vector.multi_reduction <add>, %get3A_1, %reduce_sum3A [0] : vector<32x2048xf32> to vector<2048xf32>
    %broadcast_in_dim3A = vector.shape_cast %reduce_sum3A_2 : vector<2048xf32> to vector<2048x1xf32>
    %max3A = arith.constant 1.000000e+00 : f32
    %max3A_3 = vector.broadcast %max3A : f32 to vector<2048x1xf32>
    %max3A_4 = arith.maximumf %broadcast_in_dim3A, %max3A_3 : vector<2048x1xf32>
    %rsqrt3A = math.rsqrt %max3A_4 : vector<2048x1xf32>
    %get3A_5 = arith.constant 0 : index
    %get3A_6 = arith.constant 0 : index
    %get3A_7 = arith.constant 0 : index
    %get3A_8 = vector.load %arg1[%get3A_5, %get3A_6, %get3A_7] : memref<2x2048x128xf32, #tpu.memory_space<vmem>>, vector<1x2048x128xf32>
    %get3A_9 = vector.shape_cast %get3A_8 : vector<1x2048x128xf32> to vector<2048x128xf32>
    %get3A_10 = arith.constant 1 : index
    %get3A_11 = arith.constant 0 : index
    %get3A_12 = arith.constant 0 : index
    %get3A_13 = vector.load %arg1[%get3A_10, %get3A_11, %get3A_12] : memref<2x2048x128xf32, #tpu.memory_space<vmem>>, vector<1x2048x128xf32>
    %get3A_14 = vector.shape_cast %get3A_13 : vector<1x2048x128xf32> to vector<2048x128xf32>
    %add3A = arith.addf %get3A_9, %get3A_14 : vector<2048x128xf32>
    %mul3A = vector.broadcast %rsqrt3A : vector<2048x1xf32> to vector<2048x128xf32>
    %mul3A_15 = arith.mulf %add3A, %mul3A : vector<2048x128xf32>
    %max3A_16 = arith.constant 0.000000e+00 : f32
    %max3A_17 = vector.broadcast %max3A_16 : f32 to vector<2048x128xf32>
    %max3A_18 = arith.maximumf %mul3A_15, %max3A_17 : vector<2048x128xf32>
    %get3A_19 = arith.constant 0 : index
    %get3A_20 = arith.constant 0 : index
    %get3A_21 = vector.load %arg3[%get3A_19, %get3A_20] : memref<128x128xf32, #tpu.memory_space<vmem>>, vector<128x128xf32>
    %dot_general3A = arith.constant dense<0.000000e+00> : vector<2048x128xf32>
    %dot_general3A_22 = tpu.matmul %max3A_18, %get3A_21, %dot_general3A {dimension_numbers = #tpu.dot_dimension_numbers<[1], [0], [0], [1], [0, 0, 1, 1], [], []>, transpose_lhs_hint = false} : vector<2048x128xf32>, vector<128x128xf32>, vector<2048x128xf32> -> vector<2048x128xf32>
    %get3A_23 = arith.constant 0 : index
    %get3A_24 = arith.constant 0 : index
    %get3A_25 = vector.load %arg4[%get3A_23, %get3A_24] : memref<1x128xf32, #tpu.memory_space<vmem>>, vector<1x128xf32>
    %add3A_26 = vector.broadcast %get3A_25 : vector<1x128xf32> to vector<2048x128xf32>
    %add3A_27 = arith.addf %dot_general3A_22, %add3A_26 : vector<2048x128xf32>
    %mul3A_28 = vector.broadcast %rsqrt3A : vector<2048x1xf32> to vector<2048x128xf32>
    %mul3A_29 = arith.mulf %add3A_27, %mul3A_28 : vector<2048x128xf32>
    %swap3A = arith.constant 0 : index
    %swap3A_30 = arith.constant 0 : index
    %swap3A_31 = vector.load %arg5[%swap3A, %swap3A_30] : memref<2048x128xf32, #tpu.memory_space<vmem>>, vector<2048x128xf32>
    tpu.vector_store %arg5[%swap3A, %swap3A_30], %mul3A_29 {strides = array<i32>} : memref<2048x128xf32, #tpu.memory_space<vmem>>, vector<2048x128xf32>,
    return
  }
  func.func @transform_0(%arg0: i32) -> (i32, i32, i32) {
    %c0_i32 = arith.constant 0 : i32
    %c0_i32_0 = arith.constant 0 : i32
    %c0_i32_1 = arith.constant 0 : i32
    return %c0_i32, %arg0, %c0_i32_0 : i32, i32, i32
  }
  func.func @transform_1(%arg0: i32) -> (i32, i32) {
    %c0_i32 = arith.constant 0 : i32
    %c0_i32_0 = arith.constant 0 : i32
    return %c0_i32, %arg0 : i32, i32
  }
  func.func @transform_2(%arg0: i32) -> (i32, i32) {
    %c0_i32 = arith.constant 0 : i32
    %c0_i32_0 = arith.constant 0 : i32
    %c0_i32_1 = arith.constant 0 : i32
    return %c0_i32, %c0_i32_0 : i32, i32
  }
  func.func @transform_3(%arg0: i32) -> (i32, i32) {
    %c0_i32 = arith.constant 0 : i32
    %c0_i32_0 = arith.constant 0 : i32
    %c0_i32_1 = arith.constant 0 : i32
    return %c0_i32, %c0_i32_0 : i32, i32
  }
  func.func @transform_4(%arg0: i32) -> (i32, i32) {
    %c0_i32 = arith.constant 0 : i32
    %c0_i32_0 = arith.constant 0 : i32
    return %arg0, %c0_i32 : i32, i32
  }
}

module attributes {stable_mosaic.version = 14 : i64} {
  func.func @_tc3_body(%arg0: i32, %arg1: memref<2x2048x128xf32, #tpu.memory_space<vmem>>, %arg2: memref<32x2048xf32, #tpu.memory_space<vmem>>, %arg3: memref<2048x128xf32, #tpu.memory_space<vmem>>, %arg4: memref<2048x128xf32, #tpu.memory_space<vmem>>) attributes {dimension_semantics = [#tpu.dimension_semantics<arbitrary>], iteration_bounds = array<i64: 5>, scalar_prefetch = 0 : i64, scratch_operands = 0 : i64, tpu.core_type = #tpu.core_type<tc>, window_params = [{transform_indices = @transform_0, window_bounds = array<i64: 2, 2048, 128>}, {transform_indices = @transform_1, window_bounds = array<i64: 32, 2048>}, {transform_indices = @transform_2, window_bounds = array<i64: 2048, 128>}, {transform_indices = @transform_3, window_bounds = array<i64: 2048, 128>}]} {
    %get3A = arith.constant 0 : index
    %get3A_0 = arith.constant 0 : index
    %get3A_1 = arith.constant 0 : index
    %get3A_2 = vector.load %arg1[%get3A, %get3A_0, %get3A_1] : memref<2x2048x128xf32, #tpu.memory_space<vmem>>, vector<1x2048x128xf32>
    %get3A_3 = vector.shape_cast %get3A_2 : vector<1x2048x128xf32> to vector<2048x128xf32>
    %get3A_4 = arith.constant 1 : index
    %get3A_5 = arith.constant 0 : index
    %get3A_6 = arith.constant 0 : index
    %get3A_7 = vector.load %arg1[%get3A_4, %get3A_5, %get3A_6] : memref<2x2048x128xf32, #tpu.memory_space<vmem>>, vector<1x2048x128xf32>
    %get3A_8 = vector.shape_cast %get3A_7 : vector<1x2048x128xf32> to vector<2048x128xf32>
    %add3A = arith.addf %get3A_3, %get3A_8 : vector<2048x128xf32>
    %get3A_9 = arith.constant 0 : index
    %get3A_10 = arith.constant 0 : index
    %get3A_11 = vector.load %arg2[%get3A_9, %get3A_10] : memref<32x2048xf32, #tpu.memory_space<vmem>>, vector<32x2048xf32>
    %reduce_sum3A = arith.constant dense<0.000000e+00> : vector<2048xf32>
    %reduce_sum3A_12 = vector.multi_reduction <add>, %get3A_11, %reduce_sum3A [0] : vector<32x2048xf32> to vector<2048xf32>
    %broadcast_in_dim3A = vector.shape_cast %reduce_sum3A_12 : vector<2048xf32> to vector<2048x1xf32>
    %max3A = arith.constant 1.000000e+00 : f32
    %max3A_13 = vector.broadcast %max3A : f32 to vector<2048x1xf32>
    %max3A_14 = arith.maximumf %broadcast_in_dim3A, %max3A_13 : vector<2048x1xf32>
    %rsqrt3A = math.rsqrt %max3A_14 : vector<2048x1xf32>
    %mul3A = vector.broadcast %rsqrt3A : vector<2048x1xf32> to vector<2048x128xf32>
    %mul3A_15 = arith.mulf %add3A, %mul3A : vector<2048x128xf32>
    %get3A_16 = arith.constant 0 : index
    %get3A_17 = arith.constant 0 : index
    %get3A_18 = vector.load %arg3[%get3A_16, %get3A_17] : memref<2048x128xf32, #tpu.memory_space<vmem>>, vector<2048x128xf32>
    %add3A_19 = arith.addf %get3A_18, %mul3A_15 : vector<2048x128xf32>
    %max3A_20 = arith.constant 0.000000e+00 : f32
    %max3A_21 = vector.broadcast %max3A_20 : f32 to vector<2048x128xf32>
    %max3A_22 = arith.maximumf %add3A_19, %max3A_21 : vector<2048x128xf32>
    %mul3A_23 = arith.mulf %max3A_22, %max3A_22 : vector<2048x128xf32>
    %reduce_sum3A_24 = arith.constant dense<0.000000e+00> : vector<2048xf32>
    %reduce_sum3A_25 = vector.multi_reduction <add>, %mul3A_23, %reduce_sum3A_24 [1] : vector<2048x128xf32> to vector<2048xf32>
    %broadcast_in_dim3A_26 = vector.shape_cast %reduce_sum3A_25 : vector<2048xf32> to vector<2048x1xf32>
    %sqrt3A = math.sqrt %broadcast_in_dim3A_26 : vector<2048x1xf32>
    %max3A_27 = arith.constant 9.99999996E-13 : f32
    %max3A_28 = vector.broadcast %max3A_27 : f32 to vector<2048x1xf32>
    %max3A_29 = arith.maximumf %sqrt3A, %max3A_28 : vector<2048x1xf32>
    %div3A = vector.broadcast %max3A_29 : vector<2048x1xf32> to vector<2048x128xf32>
    %div3A_30 = arith.divf %max3A_22, %div3A : vector<2048x128xf32>
    %swap3A = arith.constant 0 : index
    %swap3A_31 = arith.constant 0 : index
    %swap3A_32 = vector.load %arg4[%swap3A, %swap3A_31] : memref<2048x128xf32, #tpu.memory_space<vmem>>, vector<2048x128xf32>
    tpu.vector_store %arg4[%swap3A, %swap3A_31], %div3A_30 {strides = array<i32>} : memref<2048x128xf32, #tpu.memory_space<vmem>>, vector<2048x128xf32>,
    return
  }
  func.func @transform_0(%arg0: i32) -> (i32, i32, i32) {
    %c0_i32 = arith.constant 0 : i32
    %c0_i32_0 = arith.constant 0 : i32
    %c0_i32_1 = arith.constant 0 : i32
    return %c0_i32, %arg0, %c0_i32_0 : i32, i32, i32
  }
  func.func @transform_1(%arg0: i32) -> (i32, i32) {
    %c0_i32 = arith.constant 0 : i32
    %c0_i32_0 = arith.constant 0 : i32
    return %c0_i32, %arg0 : i32, i32
  }
  func.func @transform_2(%arg0: i32) -> (i32, i32) {
    %c0_i32 = arith.constant 0 : i32
    %c0_i32_0 = arith.constant 0 : i32
    return %arg0, %c0_i32 : i32, i32
  }
  func.func @transform_3(%arg0: i32) -> (i32, i32) {
    %c0_i32 = arith.constant 0 : i32
    %c0_i32_0 = arith.constant 0 : i32
    return %arg0, %c0_i32 : i32, i32
  }
}

</mosaic_0001>

<sc_bundles>
// kernel: kernel.11.cloned.1.call-start
scs
__scs_entry_jumppad:
0x0: {  	(pc) =	sbr.rel $0x88, $3  }
0x1: {  	(tag) =	ssettag $0x0;
	lr =	simm.s32 $0x1  }
0x2: {  	[smem:$0x3F9B] =	sst lr;
	_ =	strace $0xD0000000  }
0x3: {  	_ = 	snop  }
0x4: {  	_ = 	snop  }
0x5: {  	_ = 	snop  }
0x6: {  	_ = 	snop  }
0x7: {  	_ = 	snop  }
__scs_overlays_trampoline_lowered:
0x8: {  	[smem:$0x3FAA] =	sst s0  }
0x9: {  	[smem:$0x3FAB] =	sst s1  }
0xa: {  	[smem:$0x3FAC] =	sst s2  }
0xb: {  	[smem:$0x3FAD] =	sst s3  }
0xc: {  	[smem:$0x3FAE] =	sst s4  }
0xd: {  	[smem:$0x3FAF] =	sst s5  }
0xe: {  	[smem:$0x3FB0] =	sst s6  }
0xf: {  	[smem:$0x3FB1] =	sst s7  }
0x10: {  	[smem:$0x3FB2] =	sst s8  }
0x11: {  	[smem:$0x3FB3] =	sst s9;
	s0 =	simm.s32 @!p0 $0x0  }
0x12: {  	s1 =	sld [smem:$0x3F99];
	s0 =	simm.s32 @p0 $0x1  }
0x13: {  	[smem:$0x3FB4] =	sst s0;
	s0 =	simm.s32 @!p1 $0x0  }
0x14: {  	s2 =	sld [smem:$0x3F98];
	s0 =	simm.s32 @p1 $0x1  }
0x15: {  	[smem:$0x3FB5] =	sst s0;
	s0 =	simm.s32 @!p2 $0x0  }
0x16: {  	s3 =	sld [smem:$0x3FDB];
	s0 =	simm.s32 @p2 $0x1  }
0x17: {  	s4 =	simm.s32 $0x1BF5;
	[smem:$0x3FB7] =	sst s0  }
0x18: {  	s0 =	sld [smem:$0x3F9A];
	_ =	swait.ge [sflag:s4], $0x0  }
0x19: {  	s7 =	sld [smem:$0x3F9B]  }
0x1a: {  	s8 =	sadd.s32 $0xFFFFE003, lr  }
0x1b: {  	s9 =	sadd.s32 $0xFFFFFEF7, lr;
	s5 =	simm.s32 $0xFFFFFFFF;
	p2 =	slt.u32 s8, $0xFFFFF086  }
0x1c: {  	p1 =	slt.u32 s9, $0xF7A;
	s5 =	simm.s32 @!p2 $0x0  }
0x1d: {  	s5 =	simm.s32 @p1 $0x1;
	p0 =	seq.s32 s7, s2  }
0x1e: {  	s7 =	smul.u32 @!p0 $0xF7A, s2;
	p2 =	seq.s32 @!p0 s5, $0x0  }
0x1f: {  	s9 =	smul.u32 $0xF7A, s1;
	s8 =	simm.s32 @!p0 $0x1BF5;
	p2 =	por !p2, p0  }
0x20: {  	[sflag:s8] =	ssyncset.s32 @!p0 $0xFFFFF086;
	s6 =	sadd.s32 @!p0 s3, s7;
	s7 =	simm.s32 @!p0 $0x108  }
0x21: {  	s3 =	sadd.s32 s3, s9;
	s6 =	sadd.s32 @!p0 $0x88, s6;
	s7 =	simm.s32 @p2 $0x1082  }
0x22: {  	[simem:s7], [sflag:s8] =	dma.local @!p0 [hbm:s6], $0xF7A  }
0x23: {  	s9 =	sor.u32 $0xD0000000, s2;
	s6 =	simm.s32 $0x108;
	_ =	swait.ge @!p0 [sflag:s8], $0x0  }
0x24: {  	s3 =	sadd.s32 $0x88, s3;
	s6 =	simm.s32 @!p1 $0x1082;
	[sflag:s4] =	ssyncset.s32 $0xFFFFF086  }
0x25: {  	[simem:s6], [sflag:s4] =	dma.local [hbm:s3], $0xF7A  }
0x26: {  	[smem:$0x3F9B] =	sst s1;
	(tag) =	ssettag s2;
	_ =	strace s9  }
0x27: {  	s1 =	sld [smem:$0x3FAB]  }
0x28: {  	s2 =	sld [smem:$0x3FAC]  }
0x29: {  	s4 =	sld [smem:$0x3FAE]  }
0x2a: {  	p0 =	seq.s32 s5, $0x0;
	s5 =	sld [smem:$0x3FAF]  }
0x2b: {  	s6 =	sld [smem:$0x3FB0]  }
0x2c: {  	s7 =	sld [smem:$0x3FB1]  }
0x2d: {  	s3 =	simm.s32 $0x108;
	s8 =	sld [smem:$0x3FB2]  }
0x2e: {  	s3 =	simm.s32 @!p0 $0x1082;
	s9 =	sld [smem:$0x3FB3]  }
0x2f: {  	lr =	sadd.s32 s0, s3;
	s0 =	sld [smem:$0x3FAA]  }
0x30: {  	s3 =	sld [smem:$0x3FAD]  }
0x31: {  	[smem:$0x3FB6] =	sst s10  }
0x32: {  	s10 =	sld [smem:$0x3FB4];
	_ =	sdelay $0x3  }
0x33: {  	p0 =	seq.s32 s10, $0x1;
	s10 =	sld [smem:$0x3FB6];
	_ =	sdelay $0x3  }
0x34: {  	[smem:$0x3FB6] =	sst s10  }
0x35: {  	s10 =	sld [smem:$0x3FB5];
	_ =	sdelay $0x3  }
0x36: {  	p1 =	seq.s32 s10, $0x1;
	s10 =	sld [smem:$0x3FB6];
	_ =	sdelay $0x3  }
0x37: {  	[smem:$0x3FB6] =	sst s10  }
0x38: {  	s10 =	sld [smem:$0x3FB7]  }
0x39: {  	_ = 	snop;
	(pc) =	sbr.ind lr, $3  }
0x3a: {  	_ = 	snop  }
0x3b: {  	_ = 	snop  }
0x3c: {  	p2 =	seq.s32 s10, $0x1;
	s10 =	sld [smem:$0x3FB6]  }
0x3d: {  	_ =	shalt  }
0x3e: {  	_ =	shalt  }
0x3f: {  	_ =	shalt  }
0x40: {  	_ =	shalt  }
0x41: {  	_ =	shalt  }
0x42: {  	_ =	shalt  }
0x43: {  	_ =	shalt  }
0x44: {  	_ =	shalt  }
0x45: {  	_ =	shalt  }
0x46: {  	_ =	shalt  }
0x47: {  	_ =	shalt  }
0x48: {  	_ =	shalt  }
0x49: {  	_ =	shalt  }
0x4a: {  	_ =	shalt  }
0x4b: {  	_ =	shalt  }
0x4c: {  	_ =	shalt  }
0x4d: {  	_ =	shalt  }
0x4e: {  	_ =	shalt  }
0x4f: {  	_ =	shalt  }
0x50: {  	_ =	shalt  }
0x51: {  	_ =	shalt  }
0x52: {  	_ =	shalt  }
0x53: {  	_ =	shalt  }
0x54: {  	_ =	shalt  }
0x55: {  	_ =	shalt  }
0x56: {  	_ =	shalt  }
0x57: {  	_ =	shalt  }
0x58: {  	_ =	shalt  }
0x59: {  	_ =	shalt  }
0x5a: {  	_ =	shalt  }
0x5b: {  	_ =	shalt  }
0x5c: {  	_ =	shalt  }
0x5d: {  	_ =	shalt  }
0x5e: {  	_ =	shalt  }
0x5f: {  	_ =	shalt  }
0x60: {  	_ =	shalt  }
0x61: {  	_ =	shalt  }
0x62: {  	_ =	shalt  }
0x63: {  	_ =	shalt  }
0x64: {  	_ =	shalt  }
0x65: {  	_ =	shalt  }
0x66: {  	_ =	shalt  }
0x67: {  	_ =	shalt  }
0x68: {  	_ =	shalt  }
0x69: {  	_ =	shalt  }
0x6a: {  	_ =	shalt  }
0x6b: {  	_ =	shalt  }
0x6c: {  	_ =	shalt  }
0x6d: {  	_ =	shalt  }
0x6e: {  	_ =	shalt  }
0x6f: {  	_ =	shalt  }
0x70: {  	_ =	shalt  }
0x71: {  	_ =	shalt  }
0x72: {  	_ =	shalt  }
0x73: {  	_ =	shalt  }
0x74: {  	_ =	shalt  }
0x75: {  	_ =	shalt  }
0x76: {  	_ =	shalt  }
0x77: {  	_ =	shalt  }
0x78: {  	_ =	shalt  }
0x79: {  	_ =	shalt  }
0x7a: {  	_ =	shalt  }
0x7b: {  	_ =	shalt  }
0x7c: {  	_ =	shalt  }
0x7d: {  	_ =	shalt  }
0x7e: {  	_ =	shalt  }
0x7f: {  	_ =	shalt  }
0x80: {  	_ =	shalt  }
0x81: {  	_ =	shalt  }
0x82: {  	_ =	shalt  }
0x83: {  	_ =	shalt  }
0x84: {  	_ =	shalt  }
0x85: {  	_ =	shalt  }
0x86: {  	_ =	shalt  }
0x87: {  	_ =	shalt  }
.Lfunc_end0:
.L_simem_size_0:
called_computation.1_lowered:
.L_overlay_start_0:
0x88: {  	s2 =	sld [smem:$0x3FD9]  }
0x89: {  	s3 =	sld [smem:$0x3FFE];
	_ =	sdelay $0x1  }
0x8a: {  	s1 =	srdreg.scid  }
0x8b: {  	s0 =	sand.u32 $0x1, s1  }
0x8c: {  	s17 =	sshll.u32 s0, $0xA;
	s2 =	sadd.s32 s3, s2  }
0x8d: {  	s2 =	sadd.s32 s2, s17  }
0x8e: {  	[smem:$0x3FC2] =	sst s2  }
0x8f: {  	_ = 	snop  }
0x90: {  	s2 =	sld [smem:$0x3FD0];
	(tm) =	ssettm $0x1  }
0x91: {  	s18 =	sld [smem:$0x3FFB];
	_ =	sdelay $0x3  }
0x92: {  	_ =	strace s18  }
0x93: {  	s3 =	sld [smem:$0x3FFC];
	_ =	sdelay $0x3  }
0x94: {  	_ =	strace s3  }
0x95: {  	s3 =	sld [smem:$0x3FFD];
	_ =	sdelay $0x3  }
0x96: {  	_ =	strace s3  }
0x97: {  	_ =	strace $0x8FFFFFFF  }
0x98: {  	s19 =	sld [smem:$0x3FDB];
	_ =	sdelay $0x1  }
0x99: {  	s4 =	simm.s32 $_scs_section_size  }
0x9a: {  	s5 =	simm.s32 $_size__tile_overlayer_lowered;
	s6 =	simm.s32 $_tile_overlayer_lowered  }
0x9b: {  	s22 =	simm.s32 $0x1BFF;
	s21 =	sshll.u32 s6, $0x1;
	s3 =	sadd.s32 s4, s19  }
0x9c: {  	s7 =	simm.s32 $0x0;
	s20 =	sshll.u32 s5, $0x1;
	s5 =	sadd.s32 s21, s3  }
0x9d: {  	[timem:s7], [sflag:s22] =	dma.local [hbm:s5], s20  }
0x9e: {  	_ =	swait.ge [sflag:s22], s20  }
0x9f: {  	s4 =	ssub.s32 $0x0, s20;
	[sflag:s22] =	ssyncset.done $0x0  }
0xa0: {  	[sflag:s22] =	ssyncadd.s32 s4;
	_ =	sdelay $0x1  }
0xa1: {  	s23 =	simm.s32 $0x1B8B  }
0xa2: {  	_ =	swait.ge [sflag:s23], $0x1  }
0xa3: {  	[sflag:s23] =	ssyncset.done $0x0  }
0xa4: {  	s25 =	simm.s32 $0x1B8E;
	s24 =	sld [smem:$0x3FFE];
	[sflag:s23] =	ssyncadd.s32 $0xFFFFFFFF  }
0xa5: {  	s26 =	simm.s32 $execute0_lowered;
	[smem:$0x3FD2] =	sst s25  }
0xa6: {  	s5 =	sshll.u32 s26, $0x1;
	_ =	strace $0x80000049;
	[dreg:$0x1] =	wrdreg $0xFFFFFFFF  }
0xa7: {  	s28 =	simm.s32 $_size_execute0_lowered;
	s3 =	sadd.s32 s3, s5;
	[dreg:$0x0] =	wrdreg $0x0  }
0xa8: {  	s5 =	sshll.u32 s28, $0x1;
	[dreg:$0x2] =	wrdreg s3  }
0xa9: {  	[dreg:$0x3] =	wrdreg s5  }
0xaa: {  	[dreg:$0x4] =	wrdreg $0xC0  }
0xab: {  	_ =	task [dreg:s7], $0x5FFFF  }
0xac: {  	[dreg:$0x1] =	wrdreg $0xFFFFFFFF  }
0xad: {  	[dreg:$0x0] =	wrdreg $0x60  }
0xae: {  	[dreg:$0x2] =	wrdreg s2  }
0xaf: {  	[dreg:$0x3] =	wrdreg s24  }
0xb0: {  	[dreg:$0x4] =	wrdreg $0x88000  }
0xb1: {  	[dreg:$0x5] =	wrdreg $0x9  }
0xb2: {  	_ =	task.clear_ibuf [dreg:s7], $0x6FFFF;
	_ =	strace $0x90000049  }
0xb3: {  	s29 =	simm.s32 $0x9;
	_ =	strace $0x8000004B  }
0xb4: {  	_ =	swait.ge [sflag:s29], $0x1  }
0xb5: {  	[sflag:s29] =	ssyncadd.s32 $0xFFFFFFFF  }
0xb6: {  	_ =	strace $0x9000004B  }
0xb7: {  	_ =	sfence  }
0xb8: {  	s30 =	sld [smem:$0x0];
	_ =	sdelay $0x2  }
0xb9: {  	s31 =	sshll.u32 s1, $0xD;
	s1 =	sshrl.u32 s1, $0x2  }
0xba: {  	s3 =	sand.u32 $0x4000, s31;
	s1 =	sadd.s32 s1, s30  }
0xbb: {  	s0 =	sor.u32 s3, s0;
	s1 =	sshll.u32 s1, $0x11  }
0xbc: {  	s0 =	sor.u32 s1, s0  }
0xbd: {  	s0 =	sadd.s32 $0x8F2B, s0  }
0xbe: {  	[sflag:s0] =	ssyncadd.remote.s32 $0x1  }
0xbf: {  	_ =	sfence.sel $0xFFFF  }
0xc0: {  	[dreg:$0x0] =	wrdreg $0xFFFFFFFF;
	(pc) =	sbr.abs _section_cstart, $3  }
0xc1: {  	[dreg:$0x1] =	wrdreg $0xFFFFFFFF  }
0xc2: {  	_ =	task.clear_ibuf [dreg:s7], $0x2FFFF;
	_ =	strace $0x9FFFFFFF  }
0xc3: {  	(tm) =	ssettm $0x7FFFFFFF  }
tec
execute0_lowered:
.L_overlay_start_1:
0x0: {  	(tag) =	ssettag $0x1  }
0x1: {  	s1 =	rddreg [dreg:$0x0]  }
0x2: {  	s0 =	rddreg [dreg:$0x1]  }
0x3: {  	s2 =	rddreg [dreg:$0x2];
	s3 =	srdreg.scid  }
0x4: {  	s4 =	simm.s32 $0x0;
	s11 =	stileid.u32;
	s14 =	simm.s32 $0x8400  }
0x5: {  	s15 =	simm.s32 $0x40;
	s17 =	simm.s32 $0x2000;
	s19 =	simm.s32 $0x4000  }
0x6: {  	s21 =	simm.s32 $0x6000;
	s29 =	simm.s32 $0x5;
	s30 =	simm.s32 $0x8280  }
0x7: {  	s31 =	simm.s32 $0x6;
	s16 =	simm.s32 $0x7;
	s18 =	simm.s32 $0x8  }
0x8: {  	s20 =	simm.s32 $0x8500;
	s3 =	sand.u32 $0x1, s3;
	s10 =	smul.u32 $0x50000, s11  }
0x9: {  	[smem:$0x7FF] =	sst s4;
	s8 =	sadd.s32 $0x54800, s0;
	s26 =	smul.u32 $0x1400, s11  }
0xa: {  	s12 =	sadd.s32 $0x2000, s0;
	s25 =	sshll.u32 s11, $0x6;
	s28 =	smul.u32 $0x2800, s11  }
0xb: {  	s5 =	sshll.u32 s3, $0x4;
	s6 =	smul.u32 $0x28000, s3;
	_ =	strace $0x8000004A  }
0xc: {  	s7 =	ssub.s32 $0x2, s3;
	[dreg:$0x4] =	wrdreg s12;
	s3 =	smul.u32 $0x14000, s3  }
0xd: {  	[dreg:$0x6] =	wrdreg s25;
	s12 =	simm.s32 $0x8580;
	s5 =	sor.u32 s11, s5  }
0xe: {  	s9 =	sshrl.u32 s7, $0x1;
	s24 =	sshrl.u32 s10, $0x2;
	s10 =	sor.u32 $0x1C02, s25  }
0xf: {  	s11 =	simm.s32 $0x8780;
	s5 =	smul.u32 $0x1400, s5;
	s0 =	sadd.s32 s6, s0  }
0x10: {  	s22 =	ssub.s32 s7, s9;
	[dreg:$0x7] =	wrdreg s10;
	s3 =	sadd.s32 s3, s8  }
0x11: {  	s7 =	simm.s32 $0x8480;
	s10 =	simm.s32 $0x8680;
	s0 =	sadd.s32 $0x4800, s0  }
0x12: {  	s3 =	sadd.s32 s26, s3;
	s6 =	smax.u32 s22, $0x1;
	s26 =	simm.s32 $0x4  }
0x13: {  	s23 =	sadd.s32 s8, s5;
	s5 =	sadd.s32 s24, s2;
	[dreg:$0x9] =	wrdreg s6  }
0x14: {  	s3 =	sadd.s32 $0x100, s3;
	s0 =	sadd.s32 s28, s0;
	s8 =	simm.s32 $0x8600  }
.Ltmp0:
0x15: {  	s6 =	simm.s32 $0xA;
	[dreg:$0x5] =	wrdreg s23;
	(pc) =	sbr.rel .LBB2_1-.Ltmp0, $4  }
0x16: {  	s24 =	simm.s32 $0x0;
	s9 =	sadd.s32 $0x80, s23;
	[dreg:$0xa] =	wrdreg s3  }
0x17: {  	s25 =	sshrl.u32 s5, $0x3;
	s23 =	simm.s32 $0x3;
	[dreg:$0xc] =	wrdreg s0  }
0x18: {  	s0 =	simm.s32 $0x8380;
	s3 =	simm.s32 $0x1;
	[dreg:$0x8] =	wrdreg s9  }
0x19: {  	s5 =	simm.s32 $0x9;
	s9 =	simm.s32 $0x8700;
	[dreg:$0xb] =	wrdreg s25  }
.LBB2_4:
0x1a: {  	[bflag:$0x0] =	sbarrier.arrive $0xFFFF  }
0x1b: {  	s13 =	rddreg [dreg:$0x6]  }
0x1c: {  	s25 =	rddreg [dreg:$0xb]  }
0x1d: {  	s22 =	rddreg [dreg:$0xc];
	s13 =	sor.u32 $0x1C0B, s13  }
0x1e: {  	[hbm:s22], [sflag:s13] =	dma.local [spmem:s25], $0x2800  }
0x1f: {  	s22 =	simm.s32 $0xB  }
0x20: {  	_ =	swait.ge [sflag:s22], $0x2800  }
0x21: {  	s24 =	rddreg [dreg:$0xd]  }
0x22: {  	s28 =	rddreg [dreg:$0x9];
	s24 =	sadd.s32 $0x1, s24  }
0x23: {  	p0 =	sne.s32 s24, s28  }
.Ltmp1:
0x24: {  	_ = 	snop;
	(pc) =	sbr.rel @!p0 .LBB2_5-.Ltmp1, $3  }
0x25: {  	_ =	sdelay $0x1  }
0x26: {  	[sflag:s22] =	ssyncset.done $0x0  }
0x27: {  	[sflag:s22] =	ssyncadd.s32 $0xFFFFD800  }
.LBB2_1:
0x28: {  	[dreg:$0xd] =	wrdreg s24  }
0x29: {  	s13 =	rddreg [dreg:$0x5]  }
0x2a: {  	s28 =	rddreg [dreg:$0x4]  }
0x2b: {  	s24 =	simm.s32 $0x8000;
	s22 =	rddreg [dreg:$0x7]  }
0x2c: {  	[tilespmem:s24], [sflag:$0x1] =	stream.linear.gather [hbm4b:s13+s4], $0x400, $0x38;
	[tilespmem:$0x1C800] =	vst v63  }
0x2d: {  	[spmem:s25], [sflag:s22] =	dma.local [hbm:s28], $0x2800  }
0x2e: {  	_ =	swait.ge [sflag:s3], $0x400  }
0x2f: {  	[sflag:s3] =	ssyncset.done $0x0  }
0x30: {  	s28 =	rddreg [dreg:$0x8];
	[sflag:s3] =	ssyncadd.s32 $0xFFFFFC00  }
0x31: {  	[tilespmem:s14], [sflag:$0x1] =	stream.linear.gather [hbm4b:s28+s4], $0x400, $0x38;
	[tilespmem:$0x1C800] =	vst v63  }
0x32: {  	_ = 	snop  }
0x33: {  	[tilespmem:s4], [sflag:$0x3] =	stream.indirect.gather [hbm4b:s1+s15], $0x80, s24, s15, $0xb8;
	[tilespmem:$0x1C800] =	vst v63  }
0x34: {  	s22 =	simm.s32 $0x8100  }
0x35: {  	[tilespmem:s17], [sflag:$0x4] =	stream.indirect.gather [hbm4b:s1+s15], $0x80, s22, s15, $0xb8;
	[tilespmem:$0x1C800] =	vst v63  }
0x36: {  	s24 =	simm.s32 $0x8200  }
0x37: {  	[tilespmem:s19], [sflag:$0x5] =	stream.indirect.gather [hbm4b:s1+s15], $0x80, s24, s15, $0xb8;
	[tilespmem:$0x1C800] =	vst v63  }
0x38: {  	s25 =	simm.s32 $0x8300;
	s28 =	simm.s32 $0x2  }
0x39: {  	[tilespmem:s21], [sflag:$0x6] =	stream.indirect.gather [hbm4b:s1+s15], $0x80, s25, s15, $0xb8;
	[tilespmem:$0x1C800] =	vst v63  }
0x3a: {  	_ =	swait.ge [sflag:s28], $0x2800  }
0x3b: {  	[sflag:s28] =	ssyncset.done $0x0  }
0x3c: {  	[sflag:s28] =	ssyncadd.s32 $0xFFFFD800  }
0x3d: {  	[bflag:$0x0] =	sbarrier.arrive $0xFFFF  }
0x3e: {  	s24 =	simm.s32 $0x1;
	s13 =	rddreg [dreg:$0xa]  }
.LBB2_2:
0x3f: {  	_ =	swait.ge [sflag:s23], $0x2000  }
0x40: {  	[sflag:s23] =	ssyncset.done $0x0  }
0x41: {  	s22 =	simm.s32 $0x8080;
	[sflag:s23] =	ssyncadd.s32 $0xFFFFE000  }
0x42: {  	[spmem:s2] =	stream.indirect.scatter.add.f32 [tilespmem:s4], [sflag:$0x7], $0x80, s22, s15, $0xb8;
	[tilespmem:$0x1C800] =	vst v63  }
0x43: {  	_ =	swait.ge [sflag:s26], $0x2000  }
0x44: {  	[sflag:s26] =	ssyncset.done $0x0  }
0x45: {  	s28 =	simm.s32 $0x8180;
	[sflag:s26] =	ssyncadd.s32 $0xFFFFE000  }
0x46: {  	[spmem:s2] =	stream.indirect.scatter.add.f32 [tilespmem:s17], [sflag:$0x8], $0x80, s28, s15, $0xb8;
	[tilespmem:$0x1C800] =	vst v63  }
0x47: {  	_ =	swait.ge [sflag:s29], $0x2000  }
0x48: {  	[sflag:s29] =	ssyncset.done $0x0  }
0x49: {  	[sflag:s29] =	ssyncadd.s32 $0xFFFFE000  }
0x4a: {  	[spmem:s2] =	stream.indirect.scatter.add.f32 [tilespmem:s19], [sflag:$0x9], $0x80, s30, s15, $0xb8;
	[tilespmem:$0x1C800] =	vst v63  }
0x4b: {  	_ =	swait.ge [sflag:s31], $0x2000  }
0x4c: {  	[sflag:s31] =	ssyncset.done $0x0  }
0x4d: {  	[sflag:s31] =	ssyncadd.s32 $0xFFFFE000  }
0x4e: {  	[spmem:s2] =	stream.indirect.scatter.add.f32 [tilespmem:s21], [sflag:$0xA], $0x80, s0, s15, $0xb8;
	[tilespmem:$0x1C800] =	vst v63  }
0x4f: {  	_ =	swait.ge [sflag:s3], $0x400  }
0x50: {  	[sflag:s3] =	ssyncset.done $0x0  }
0x51: {  	[sflag:s3] =	ssyncadd.s32 $0xFFFFFC00  }
0x52: {  	_ =	swait.ge [sflag:s16], $0x2000  }
0x53: {  	[sflag:s16] =	ssyncset.done $0x0  }
0x54: {  	[sflag:s16] =	ssyncadd.s32 $0xFFFFE000  }
0x55: {  	[tilespmem:s4], [sflag:$0x3] =	stream.indirect.gather [hbm4b:s1+s15], $0x80, s14, s15, $0xb8;
	[tilespmem:$0x1C800] =	vst v63  }
0x56: {  	_ =	swait.ge [sflag:s18], $0x2000  }
0x57: {  	[sflag:s18] =	ssyncset.done $0x0  }
0x58: {  	[sflag:s18] =	ssyncadd.s32 $0xFFFFE000  }
0x59: {  	[tilespmem:s17], [sflag:$0x4] =	stream.indirect.gather [hbm4b:s1+s15], $0x80, s20, s15, $0xb8;
	[tilespmem:$0x1C800] =	vst v63  }
0x5a: {  	_ =	swait.ge [sflag:s5], $0x2000  }
0x5b: {  	[sflag:s5] =	ssyncset.done $0x0  }
0x5c: {  	[sflag:s5] =	ssyncadd.s32 $0xFFFFE000  }
0x5d: {  	[tilespmem:s19], [sflag:$0x5] =	stream.indirect.gather [hbm4b:s1+s15], $0x80, s8, s15, $0xb8;
	[tilespmem:$0x1C800] =	vst v63  }
0x5e: {  	_ =	swait.ge [sflag:s6], $0x2000  }
0x5f: {  	[sflag:s6] =	ssyncset.done $0x0  }
0x60: {  	p0 =	seq.s32 s24, $0x27;
	[sflag:s6] =	ssyncadd.s32 $0xFFFFE000  }
0x61: {  	[tilespmem:s21], [sflag:$0x6] =	stream.indirect.gather [hbm4b:s1+s15], $0x80, s9, s15, $0xb8;
	[tilespmem:$0x1C800] =	vst v63  }
0x62: {  	s25 =	simm.s32 @!p0 $0x8000;
	s22 =	simm.s32 @!p0 $0x0  }
0x63: {  	[tilespmem:s25], [sflag:$0x1] =	stream.linear.gather @!p0 [hbm4b:s13+s22], $0x400, $0x38;
	[tilespmem:$0x1C800] =	vst v63  }
0x64: {  	_ =	swait.ge [sflag:s23], $0x2000  }
0x65: {  	[sflag:s23] =	ssyncset.done $0x0  }
0x66: {  	[sflag:s23] =	ssyncadd.s32 $0xFFFFE000  }
0x67: {  	[spmem:s2] =	stream.indirect.scatter.add.f32 [tilespmem:s4], [sflag:$0x7], $0x80, s7, s15, $0xb8;
	[tilespmem:$0x1C800] =	vst v63  }
0x68: {  	_ =	swait.ge [sflag:s26], $0x2000  }
0x69: {  	[sflag:s26] =	ssyncset.done $0x0  }
0x6a: {  	[sflag:s26] =	ssyncadd.s32 $0xFFFFE000  }
0x6b: {  	[spmem:s2] =	stream.indirect.scatter.add.f32 [tilespmem:s17], [sflag:$0x8], $0x80, s12, s15, $0xb8;
	[tilespmem:$0x1C800] =	vst v63  }
0x6c: {  	_ =	swait.ge [sflag:s29], $0x2000  }
0x6d: {  	[sflag:s29] =	ssyncset.done $0x0  }
0x6e: {  	[sflag:s29] =	ssyncadd.s32 $0xFFFFE000  }
0x6f: {  	[spmem:s2] =	stream.indirect.scatter.add.f32 [tilespmem:s19], [sflag:$0x9], $0x80, s10, s15, $0xb8;
	[tilespmem:$0x1C800] =	vst v63  }
0x70: {  	_ =	swait.ge [sflag:s31], $0x2000  }
0x71: {  	p1 =	slt.u32 s24, $0x27;
	[sflag:s31] =	ssyncset.done $0x0  }
0x72: {  	s22 =	simm.s32 @p1 $0x1;
	[sflag:s31] =	ssyncadd.s32 $0xFFFFE000  }
0x73: {  	[spmem:s2] =	stream.indirect.scatter.add.f32 [tilespmem:s21], [sflag:$0xA], $0x80, s11, s15, $0xb8;
	[tilespmem:$0x1C800] =	vst v63  }
0x74: {  	_ =	swait.ge @p1 [sflag:s22], $0x400  }
0x75: {  	[sflag:s22] =	ssyncset.done @p1 $0x0  }
0x76: {  	[sflag:s22] =	ssyncadd.s32 @p1 $0xFFFFFC00;
	s22 =	simm.s32 @p1 $0x7  }
0x77: {  	_ =	swait.ge @p1 [sflag:s22], $0x2000  }
0x78: {  	s28 =	simm.s32 @p1 $0x0;
	[sflag:s22] =	ssyncset.done @p1 $0x0  }
0x79: {  	s25 =	simm.s32 @p1 $0x8000;
	[sflag:s22] =	ssyncadd.s32 @p1 $0xFFFFE000;
	s22 =	simm.s32 @p1 $0x40  }
0x7a: {  	[tilespmem:s28], [sflag:$0x3] =	stream.indirect.gather @p1 [hbm4b:s1+s22], $0x80, s25, s22, $0xb8;
	[tilespmem:$0x1C800] =	vst v63  }
0x7b: {  	s25 =	simm.s32 @p1 $0x8  }
0x7c: {  	_ =	swait.ge @p1 [sflag:s25], $0x2000  }
0x7d: {  	[sflag:s25] =	ssyncset.done @p1 $0x0  }
0x7e: {  	s28 =	simm.s32 @p1 $0x2000;
	[sflag:s25] =	ssyncadd.s32 @p1 $0xFFFFE000;
	s25 =	simm.s32 @p1 $0x8100  }
0x7f: {  	[tilespmem:s28], [sflag:$0x4] =	stream.indirect.gather @p1 [hbm4b:s1+s22], $0x80, s25, s22, $0xb8;
	[tilespmem:$0x1C800] =	vst v63  }
0x80: {  	s25 =	simm.s32 @p1 $0x9  }
0x81: {  	_ =	swait.ge @p1 [sflag:s25], $0x2000  }
0x82: {  	[sflag:s25] =	ssyncset.done @p1 $0x0  }
0x83: {  	s28 =	simm.s32 @p1 $0x4000;
	[sflag:s25] =	ssyncadd.s32 @p1 $0xFFFFE000;
	s25 =	simm.s32 @p1 $0x8200  }
0x84: {  	[tilespmem:s28], [sflag:$0x5] =	stream.indirect.gather @p1 [hbm4b:s1+s22], $0x80, s25, s22, $0xb8;
	[tilespmem:$0x1C800] =	vst v63  }
0x85: {  	s25 =	simm.s32 @p1 $0xA  }
0x86: {  	_ =	swait.ge @p1 [sflag:s25], $0x2000  }
0x87: {  	[sflag:s25] =	ssyncset.done @p1 $0x0  }
0x88: {  	s28 =	simm.s32 @p1 $0x6000;
	[sflag:s25] =	ssyncadd.s32 @p1 $0xFFFFE000;
	s25 =	simm.s32 @p1 $0x8300  }
0x89: {  	[tilespmem:s28], [sflag:$0x6] =	stream.indirect.gather @p1 [hbm4b:s1+s22], $0x80, s25, s22, $0xb8;
	[tilespmem:$0x1C800] =	vst v63  }
0x8a: {  	s22 =	simm.s32 @!p1 $0x7  }
0x8b: {  	_ =	swait.ge @!p1 [sflag:s22], $0x2000  }
0x8c: {  	[sflag:s22] =	ssyncset.done @!p1 $0x0  }
0x8d: {  	[sflag:s22] =	ssyncadd.s32 @!p1 $0xFFFFE000;
	s22 =	simm.s32 @!p1 $0x8  }
0x8e: {  	_ =	swait.ge @!p1 [sflag:s22], $0x2000  }
0x8f: {  	[sflag:s22] =	ssyncset.done @!p1 $0x0  }
0x90: {  	[sflag:s22] =	ssyncadd.s32 @!p1 $0xFFFFE000;
	s22 =	simm.s32 @!p1 $0x9  }
0x91: {  	_ =	swait.ge @!p1 [sflag:s22], $0x2000  }
.Ltmp2:
0x92: {  	[sflag:s22] =	ssyncset.done @!p1 $0x0;
	(pc) =	sbr.rel @p0 .LBB2_4-.Ltmp2, $4  }
0x93: {  	[sflag:s22] =	ssyncadd.s32 @!p1 $0xFFFFE000;
	s22 =	simm.s32 @!p1 $0xA  }
0x94: {  	_ =	swait.ge @!p1 [sflag:s22], $0x2000  }
0x95: {  	[sflag:s22] =	ssyncset.done @!p1 $0x0  }
0x96: {  	[sflag:s22] =	ssyncadd.s32 @!p1 $0xFFFFE000  }
.Ltmp3:
0x97: {  	(pc) =	sbr.rel .LBB2_2-.Ltmp3, $3  }
0x98: {  	_ =	sdelay $0x1  }
0x99: {  	s22 =	sadd.s32 $0x80, s13;
	s13 =	sadd.s32 $0x100, s13;
	s24 =	sadd.s32 $0x2, s24  }
0x9a: {  	[tilespmem:s14], [sflag:$0x1] =	stream.linear.gather [hbm4b:s22+s4], $0x400, $0x38;
	[tilespmem:$0x1C800] =	vst v63  }
.LBB2_5:
0x9b: {  	_ =	sfence.sel $0x180000  }
0x9c: {  	[bflag:$0x0] =	sbarrier.arrive $0xFFFF  }
0x9d: {  	_ =	strace $0x9000004A  }
0x9e: {  	s0 =	stileid.u32;
	[bflag:$0x2] =	sbarrier.arrive $0xFFFF  }
0x9f: {  	p0 =	sne.s32 s0, $0x0;
	s0 =	rddreg [dreg:$0x3]  }
0xa0: {  	s0 =	sadd.s32 @!p0 $0x100000, s0  }
0xa1: {  	[sflag:s0] =	ssyncadd.tile.s32 @!p0 $0x1;
	_ =	shalt  }
.Lfunc_end2:
_tile_overlayer_lowered:
.L_overlay_start_2:
0xa2: {  	(tag) =	ssettag $0x2  }
0xa3: {  	s0 =	rddreg [dreg:$0x0];
	s2 =	stileid.u32  }
0xa4: {  	s1 =	rddreg [dreg:$0x1];
	p0 =	sne.s32 s2, $0x0  }
0xa5: {  	s3 =	rddreg [dreg:$0x2];
	[bflag:$0x3] =	sbarrier.arrive $0xFFFF;
	s2 =	simm.s32 @!p0 $0x1C0B  }
0xa6: {  	[timem:s3], [sflag:s2] =	dma.local @!p0 [hbm:s0], s1  }
0xa7: {  	s0 =	simm.s32 @!p0 $0xB  }
0xa8: {  	_ =	swait.ge @!p0 [sflag:s0], s1  }
0xa9: {  	s1 =	ssub.s32 @!p0 $0x0, s1;
	[sflag:s0] =	ssyncset.done @!p0 $0x0  }
0xaa: {  	[sflag:s0] =	ssyncadd.s32 @!p0 s1  }
0xab: {  	[bflag:$0x3] =	sbarrier.arrive $0xFFFF  }
0xac: {  	_ =	shalt  }

// kernel: kernel.14.cloned.1.call-start
scs
__scs_entry_jumppad:
0x0: {  	(pc) =	sbr.rel $0x88, $3  }
0x1: {  	(tag) =	ssettag $0x0;
	lr =	simm.s32 $0x1  }
0x2: {  	[smem:$0x3F9B] =	sst lr;
	_ =	strace $0xD0000000  }
0x3: {  	_ = 	snop  }
0x4: {  	_ = 	snop  }
0x5: {  	_ = 	snop  }
0x6: {  	_ = 	snop  }
0x7: {  	_ = 	snop  }
__scs_overlays_trampoline_lowered:
0x8: {  	[smem:$0x3FAA] =	sst s0  }
0x9: {  	[smem:$0x3FAB] =	sst s1  }
0xa: {  	[smem:$0x3FAC] =	sst s2  }
0xb: {  	[smem:$0x3FAD] =	sst s3  }
0xc: {  	[smem:$0x3FAE] =	sst s4  }
0xd: {  	[smem:$0x3FAF] =	sst s5  }
0xe: {  	[smem:$0x3FB0] =	sst s6  }
0xf: {  	[smem:$0x3FB1] =	sst s7  }
0x10: {  	[smem:$0x3FB2] =	sst s8  }
0x11: {  	[smem:$0x3FB3] =	sst s9;
	s0 =	simm.s32 @!p0 $0x0  }
0x12: {  	s1 =	sld [smem:$0x3F99];
	s0 =	simm.s32 @p0 $0x1  }
0x13: {  	[smem:$0x3FB4] =	sst s0;
	s0 =	simm.s32 @!p1 $0x0  }
0x14: {  	s2 =	sld [smem:$0x3F98];
	s0 =	simm.s32 @p1 $0x1  }
0x15: {  	[smem:$0x3FB5] =	sst s0;
	s0 =	simm.s32 @!p2 $0x0  }
0x16: {  	s3 =	sld [smem:$0x3FDB];
	s0 =	simm.s32 @p2 $0x1  }
0x17: {  	s4 =	simm.s32 $0x1BF5;
	[smem:$0x3FB7] =	sst s0  }
0x18: {  	s0 =	sld [smem:$0x3F9A];
	_ =	swait.ge [sflag:s4], $0x0  }
0x19: {  	s7 =	sld [smem:$0x3F9B]  }
0x1a: {  	s8 =	sadd.s32 $0xFFFFE003, lr  }
0x1b: {  	s9 =	sadd.s32 $0xFFFFFEF7, lr;
	s5 =	simm.s32 $0xFFFFFFFF;
	p2 =	slt.u32 s8, $0xFFFFF086  }
0x1c: {  	p1 =	slt.u32 s9, $0xF7A;
	s5 =	simm.s32 @!p2 $0x0  }
0x1d: {  	s5 =	simm.s32 @p1 $0x1;
	p0 =	seq.s32 s7, s2  }
0x1e: {  	s7 =	smul.u32 @!p0 $0xF7A, s2;
	p2 =	seq.s32 @!p0 s5, $0x0  }
0x1f: {  	s9 =	smul.u32 $0xF7A, s1;
	s8 =	simm.s32 @!p0 $0x1BF5;
	p2 =	por !p2, p0  }
0x20: {  	[sflag:s8] =	ssyncset.s32 @!p0 $0xFFFFF086;
	s6 =	sadd.s32 @!p0 s3, s7;
	s7 =	simm.s32 @!p0 $0x108  }
0x21: {  	s3 =	sadd.s32 s3, s9;
	s6 =	sadd.s32 @!p0 $0x88, s6;
	s7 =	simm.s32 @p2 $0x1082  }
0x22: {  	[simem:s7], [sflag:s8] =	dma.local @!p0 [hbm:s6], $0xF7A  }
0x23: {  	s9 =	sor.u32 $0xD0000000, s2;
	s6 =	simm.s32 $0x108;
	_ =	swait.ge @!p0 [sflag:s8], $0x0  }
0x24: {  	s3 =	sadd.s32 $0x88, s3;
	s6 =	simm.s32 @!p1 $0x1082;
	[sflag:s4] =	ssyncset.s32 $0xFFFFF086  }
0x25: {  	[simem:s6], [sflag:s4] =	dma.local [hbm:s3], $0xF7A  }
0x26: {  	[smem:$0x3F9B] =	sst s1;
	(tag) =	ssettag s2;
	_ =	strace s9  }
0x27: {  	s1 =	sld [smem:$0x3FAB]  }
0x28: {  	s2 =	sld [smem:$0x3FAC]  }
0x29: {  	s4 =	sld [smem:$0x3FAE]  }
0x2a: {  	p0 =	seq.s32 s5, $0x0;
	s5 =	sld [smem:$0x3FAF]  }
0x2b: {  	s6 =	sld [smem:$0x3FB0]  }
0x2c: {  	s7 =	sld [smem:$0x3FB1]  }
0x2d: {  	s3 =	simm.s32 $0x108;
	s8 =	sld [smem:$0x3FB2]  }
0x2e: {  	s3 =	simm.s32 @!p0 $0x1082;
	s9 =	sld [smem:$0x3FB3]  }
0x2f: {  	lr =	sadd.s32 s0, s3;
	s0 =	sld [smem:$0x3FAA]  }
0x30: {  	s3 =	sld [smem:$0x3FAD]  }
0x31: {  	[smem:$0x3FB6] =	sst s10  }
0x32: {  	s10 =	sld [smem:$0x3FB4];
	_ =	sdelay $0x3  }
0x33: {  	p0 =	seq.s32 s10, $0x1;
	s10 =	sld [smem:$0x3FB6];
	_ =	sdelay $0x3  }
0x34: {  	[smem:$0x3FB6] =	sst s10  }
0x35: {  	s10 =	sld [smem:$0x3FB5];
	_ =	sdelay $0x3  }
0x36: {  	p1 =	seq.s32 s10, $0x1;
	s10 =	sld [smem:$0x3FB6];
	_ =	sdelay $0x3  }
0x37: {  	[smem:$0x3FB6] =	sst s10  }
0x38: {  	s10 =	sld [smem:$0x3FB7]  }
0x39: {  	_ = 	snop;
	(pc) =	sbr.ind lr, $3  }
0x3a: {  	_ = 	snop  }
0x3b: {  	_ = 	snop  }
0x3c: {  	p2 =	seq.s32 s10, $0x1;
	s10 =	sld [smem:$0x3FB6]  }
0x3d: {  	_ =	shalt  }
0x3e: {  	_ =	shalt  }
0x3f: {  	_ =	shalt  }
0x40: {  	_ =	shalt  }
0x41: {  	_ =	shalt  }
0x42: {  	_ =	shalt  }
0x43: {  	_ =	shalt  }
0x44: {  	_ =	shalt  }
0x45: {  	_ =	shalt  }
0x46: {  	_ =	shalt  }
0x47: {  	_ =	shalt  }
0x48: {  	_ =	shalt  }
0x49: {  	_ =	shalt  }
0x4a: {  	_ =	shalt  }
0x4b: {  	_ =	shalt  }
0x4c: {  	_ =	shalt  }
0x4d: {  	_ =	shalt  }
0x4e: {  	_ =	shalt  }
0x4f: {  	_ =	shalt  }
0x50: {  	_ =	shalt  }
0x51: {  	_ =	shalt  }
0x52: {  	_ =	shalt  }
0x53: {  	_ =	shalt  }
0x54: {  	_ =	shalt  }
0x55: {  	_ =	shalt  }
0x56: {  	_ =	shalt  }
0x57: {  	_ =	shalt  }
0x58: {  	_ =	shalt  }
0x59: {  	_ =	shalt  }
0x5a: {  	_ =	shalt  }
0x5b: {  	_ =	shalt  }
0x5c: {  	_ =	shalt  }
0x5d: {  	_ =	shalt  }
0x5e: {  	_ =	shalt  }
0x5f: {  	_ =	shalt  }
0x60: {  	_ =	shalt  }
0x61: {  	_ =	shalt  }
0x62: {  	_ =	shalt  }
0x63: {  	_ =	shalt  }
0x64: {  	_ =	shalt  }
0x65: {  	_ =	shalt  }
0x66: {  	_ =	shalt  }
0x67: {  	_ =	shalt  }
0x68: {  	_ =	shalt  }
0x69: {  	_ =	shalt  }
0x6a: {  	_ =	shalt  }
0x6b: {  	_ =	shalt  }
0x6c: {  	_ =	shalt  }
0x6d: {  	_ =	shalt  }
0x6e: {  	_ =	shalt  }
0x6f: {  	_ =	shalt  }
0x70: {  	_ =	shalt  }
0x71: {  	_ =	shalt  }
0x72: {  	_ =	shalt  }
0x73: {  	_ =	shalt  }
0x74: {  	_ =	shalt  }
0x75: {  	_ =	shalt  }
0x76: {  	_ =	shalt  }
0x77: {  	_ =	shalt  }
0x78: {  	_ =	shalt  }
0x79: {  	_ =	shalt  }
0x7a: {  	_ =	shalt  }
0x7b: {  	_ =	shalt  }
0x7c: {  	_ =	shalt  }
0x7d: {  	_ =	shalt  }
0x7e: {  	_ =	shalt  }
0x7f: {  	_ =	shalt  }
0x80: {  	_ =	shalt  }
0x81: {  	_ =	shalt  }
0x82: {  	_ =	shalt  }
0x83: {  	_ =	shalt  }
0x84: {  	_ =	shalt  }
0x85: {  	_ =	shalt  }
0x86: {  	_ =	shalt  }
0x87: {  	_ =	shalt  }
.Lfunc_end0:
.L_simem_size_0:
called_computation.2_lowered:
.L_overlay_start_0:
0x88: {  	s2 =	sld [smem:$0x3FD9]  }
0x89: {  	s3 =	sld [smem:$0x3FFE];
	_ =	sdelay $0x1  }
0x8a: {  	s1 =	srdreg.scid  }
0x8b: {  	s0 =	sand.u32 $0x1, s1  }
0x8c: {  	s17 =	sshll.u32 s0, $0xA;
	s2 =	sadd.s32 s3, s2  }
0x8d: {  	s2 =	sadd.s32 s2, s17  }
0x8e: {  	[smem:$0x3FC2] =	sst s2  }
0x8f: {  	_ = 	snop  }
0x90: {  	s2 =	sld [smem:$0x3FD0];
	(tm) =	ssettm $0x1  }
0x91: {  	s18 =	sld [smem:$0x3FFB];
	_ =	sdelay $0x3  }
0x92: {  	_ =	strace s18  }
0x93: {  	s3 =	sld [smem:$0x3FFC];
	_ =	sdelay $0x3  }
0x94: {  	_ =	strace s3  }
0x95: {  	s3 =	sld [smem:$0x3FFD];
	_ =	sdelay $0x3  }
0x96: {  	_ =	strace s3  }
0x97: {  	_ =	strace $0x8FFFFFFF  }
0x98: {  	s19 =	sld [smem:$0x3FDB];
	_ =	sdelay $0x1  }
0x99: {  	s4 =	simm.s32 $_scs_section_size  }
0x9a: {  	s5 =	simm.s32 $_size__tile_overlayer_lowered;
	s6 =	simm.s32 $_tile_overlayer_lowered  }
0x9b: {  	s22 =	simm.s32 $0x1BFF;
	s21 =	sshll.u32 s6, $0x1;
	s3 =	sadd.s32 s4, s19  }
0x9c: {  	s7 =	simm.s32 $0x0;
	s20 =	sshll.u32 s5, $0x1;
	s5 =	sadd.s32 s21, s3  }
0x9d: {  	[timem:s7], [sflag:s22] =	dma.local [hbm:s5], s20  }
0x9e: {  	_ =	swait.ge [sflag:s22], s20  }
0x9f: {  	s4 =	ssub.s32 $0x0, s20;
	[sflag:s22] =	ssyncset.done $0x0  }
0xa0: {  	[sflag:s22] =	ssyncadd.s32 s4;
	_ =	sdelay $0x1  }
0xa1: {  	s23 =	simm.s32 $0x1B8B  }
0xa2: {  	_ =	swait.ge [sflag:s23], $0x1  }
0xa3: {  	[sflag:s23] =	ssyncset.done $0x0  }
0xa4: {  	s25 =	simm.s32 $0x1B8E;
	s24 =	sld [smem:$0x3FFE];
	[sflag:s23] =	ssyncadd.s32 $0xFFFFFFFF  }
0xa5: {  	s26 =	simm.s32 $execute0_lowered;
	[smem:$0x3FD2] =	sst s25  }
0xa6: {  	s5 =	sshll.u32 s26, $0x1;
	_ =	strace $0x8000004C;
	[dreg:$0x1] =	wrdreg $0xFFFFFFFF  }
0xa7: {  	s28 =	simm.s32 $_size_execute0_lowered;
	s3 =	sadd.s32 s3, s5;
	[dreg:$0x0] =	wrdreg $0x0  }
0xa8: {  	s5 =	sshll.u32 s28, $0x1;
	[dreg:$0x2] =	wrdreg s3  }
0xa9: {  	[dreg:$0x3] =	wrdreg s5  }
0xaa: {  	[dreg:$0x4] =	wrdreg $0xC0  }
0xab: {  	_ =	task [dreg:s7], $0x5FFFF  }
0xac: {  	[dreg:$0x1] =	wrdreg $0xFFFFFFFF  }
0xad: {  	[dreg:$0x0] =	wrdreg $0x60  }
0xae: {  	[dreg:$0x2] =	wrdreg s2  }
0xaf: {  	[dreg:$0x3] =	wrdreg s24  }
0xb0: {  	[dreg:$0x4] =	wrdreg $0x88000  }
0xb1: {  	[dreg:$0x5] =	wrdreg $0x9  }
0xb2: {  	_ =	task.clear_ibuf [dreg:s7], $0x6FFFF;
	_ =	strace $0x9000004C  }
0xb3: {  	s29 =	simm.s32 $0x9;
	_ =	strace $0x8000004E  }
0xb4: {  	_ =	swait.ge [sflag:s29], $0x1  }
0xb5: {  	[sflag:s29] =	ssyncadd.s32 $0xFFFFFFFF  }
0xb6: {  	_ =	strace $0x9000004E  }
0xb7: {  	_ =	sfence  }
0xb8: {  	s30 =	sld [smem:$0x0];
	_ =	sdelay $0x2  }
0xb9: {  	s31 =	sshll.u32 s1, $0xD;
	s1 =	sshrl.u32 s1, $0x2  }
0xba: {  	s3 =	sand.u32 $0x4000, s31;
	s1 =	sadd.s32 s1, s30  }
0xbb: {  	s0 =	sor.u32 s3, s0;
	s1 =	sshll.u32 s1, $0x11  }
0xbc: {  	s0 =	sor.u32 s1, s0  }
0xbd: {  	s0 =	sadd.s32 $0x8F2B, s0  }
0xbe: {  	[sflag:s0] =	ssyncadd.remote.s32 $0x1  }
0xbf: {  	_ =	sfence.sel $0xFFFF  }
0xc0: {  	[dreg:$0x0] =	wrdreg $0xFFFFFFFF;
	(pc) =	sbr.abs _section_cstart, $3  }
0xc1: {  	[dreg:$0x1] =	wrdreg $0xFFFFFFFF  }
0xc2: {  	_ =	task.clear_ibuf [dreg:s7], $0x2FFFF;
	_ =	strace $0x9FFFFFFF  }
0xc3: {  	(tm) =	ssettm $0x7FFFFFFF  }
tec
execute0_lowered:
.L_overlay_start_1:
0x0: {  	(tag) =	ssettag $0x1  }
0x1: {  	s1 =	rddreg [dreg:$0x0]  }
0x2: {  	s0 =	rddreg [dreg:$0x1]  }
0x3: {  	s2 =	rddreg [dreg:$0x2];
	s3 =	srdreg.scid  }
0x4: {  	s4 =	simm.s32 $0x0;
	s11 =	stileid.u32;
	s14 =	simm.s32 $0x8400  }
0x5: {  	s15 =	simm.s32 $0x40;
	s17 =	simm.s32 $0x2000;
	s19 =	simm.s32 $0x4000  }
0x6: {  	s21 =	simm.s32 $0x6000;
	s29 =	simm.s32 $0x5;
	s30 =	simm.s32 $0x8280  }
0x7: {  	s31 =	simm.s32 $0x6;
	s16 =	simm.s32 $0x7;
	s18 =	simm.s32 $0x8  }
0x8: {  	s20 =	simm.s32 $0x8500;
	s3 =	sand.u32 $0x1, s3;
	s10 =	smul.u32 $0x50000, s11  }
0x9: {  	[smem:$0x7FF] =	sst s4;
	s8 =	sadd.s32 $0x54800, s0;
	s26 =	smul.u32 $0x1400, s11  }
0xa: {  	s12 =	sadd.s32 $0x2000, s0;
	s25 =	sshll.u32 s11, $0x6;
	s28 =	smul.u32 $0x2800, s11  }
0xb: {  	s5 =	sshll.u32 s3, $0x4;
	s6 =	smul.u32 $0x28000, s3;
	_ =	strace $0x8000004D  }
0xc: {  	s7 =	ssub.s32 $0x2, s3;
	[dreg:$0x4] =	wrdreg s12;
	s3 =	smul.u32 $0x14000, s3  }
0xd: {  	[dreg:$0x6] =	wrdreg s25;
	s12 =	simm.s32 $0x8580;
	s5 =	sor.u32 s11, s5  }
0xe: {  	s9 =	sshrl.u32 s7, $0x1;
	s24 =	sshrl.u32 s10, $0x2;
	s10 =	sor.u32 $0x1C02, s25  }
0xf: {  	s11 =	simm.s32 $0x8780;
	s5 =	smul.u32 $0x1400, s5;
	s0 =	sadd.s32 s6, s0  }
0x10: {  	s22 =	ssub.s32 s7, s9;
	[dreg:$0x7] =	wrdreg s10;
	s3 =	sadd.s32 s3, s8  }
0x11: {  	s7 =	simm.s32 $0x8480;
	s10 =	simm.s32 $0x8680;
	s0 =	sadd.s32 $0x4800, s0  }
0x12: {  	s3 =	sadd.s32 s26, s3;
	s6 =	smax.u32 s22, $0x1;
	s26 =	simm.s32 $0x4  }
0x13: {  	s23 =	sadd.s32 s8, s5;
	s5 =	sadd.s32 s24, s2;
	[dreg:$0x9] =	wrdreg s6  }
0x14: {  	s3 =	sadd.s32 $0x100, s3;
	s0 =	sadd.s32 s28, s0;
	s8 =	simm.s32 $0x8600  }
.Ltmp0:
0x15: {  	s6 =	simm.s32 $0xA;
	[dreg:$0x5] =	wrdreg s23;
	(pc) =	sbr.rel .LBB2_1-.Ltmp0, $4  }
0x16: {  	s24 =	simm.s32 $0x0;
	s9 =	sadd.s32 $0x80, s23;
	[dreg:$0xa] =	wrdreg s3  }
0x17: {  	s25 =	sshrl.u32 s5, $0x3;
	s23 =	simm.s32 $0x3;
	[dreg:$0xc] =	wrdreg s0  }
0x18: {  	s0 =	simm.s32 $0x8380;
	s3 =	simm.s32 $0x1;
	[dreg:$0x8] =	wrdreg s9  }
0x19: {  	s5 =	simm.s32 $0x9;
	s9 =	simm.s32 $0x8700;
	[dreg:$0xb] =	wrdreg s25  }
.LBB2_4:
0x1a: {  	[bflag:$0x0] =	sbarrier.arrive $0xFFFF  }
0x1b: {  	s13 =	rddreg [dreg:$0x6]  }
0x1c: {  	s25 =	rddreg [dreg:$0xb]  }
0x1d: {  	s22 =	rddreg [dreg:$0xc];
	s13 =	sor.u32 $0x1C0B, s13  }
0x1e: {  	[hbm:s22], [sflag:s13] =	dma.local [spmem:s25], $0x2800  }
0x1f: {  	s22 =	simm.s32 $0xB  }
0x20: {  	_ =	swait.ge [sflag:s22], $0x2800  }
0x21: {  	s24 =	rddreg [dreg:$0xd]  }
0x22: {  	s28 =	rddreg [dreg:$0x9];
	s24 =	sadd.s32 $0x1, s24  }
0x23: {  	p0 =	sne.s32 s24, s28  }
.Ltmp1:
0x24: {  	_ = 	snop;
	(pc) =	sbr.rel @!p0 .LBB2_5-.Ltmp1, $3  }
0x25: {  	_ =	sdelay $0x1  }
0x26: {  	[sflag:s22] =	ssyncset.done $0x0  }
0x27: {  	[sflag:s22] =	ssyncadd.s32 $0xFFFFD800  }
.LBB2_1:
0x28: {  	[dreg:$0xd] =	wrdreg s24  }
0x29: {  	s13 =	rddreg [dreg:$0x5]  }
0x2a: {  	s28 =	rddreg [dreg:$0x4]  }
0x2b: {  	s24 =	simm.s32 $0x8000;
	s22 =	rddreg [dreg:$0x7]  }
0x2c: {  	[tilespmem:s24], [sflag:$0x1] =	stream.linear.gather [hbm4b:s13+s4], $0x400, $0x38;
	[tilespmem:$0x1C800] =	vst v63  }
0x2d: {  	[spmem:s25], [sflag:s22] =	dma.local [hbm:s28], $0x2800  }
0x2e: {  	_ =	swait.ge [sflag:s3], $0x400  }
0x2f: {  	[sflag:s3] =	ssyncset.done $0x0  }
0x30: {  	s28 =	rddreg [dreg:$0x8];
	[sflag:s3] =	ssyncadd.s32 $0xFFFFFC00  }
0x31: {  	[tilespmem:s14], [sflag:$0x1] =	stream.linear.gather [hbm4b:s28+s4], $0x400, $0x38;
	[tilespmem:$0x1C800] =	vst v63  }
0x32: {  	_ = 	snop  }
0x33: {  	[tilespmem:s4], [sflag:$0x3] =	stream.indirect.gather [hbm4b:s1+s15], $0x80, s24, s15, $0xb8;
	[tilespmem:$0x1C800] =	vst v63  }
0x34: {  	s22 =	simm.s32 $0x8100  }
0x35: {  	[tilespmem:s17], [sflag:$0x4] =	stream.indirect.gather [hbm4b:s1+s15], $0x80, s22, s15, $0xb8;
	[tilespmem:$0x1C800] =	vst v63  }
0x36: {  	s24 =	simm.s32 $0x8200  }
0x37: {  	[tilespmem:s19], [sflag:$0x5] =	stream.indirect.gather [hbm4b:s1+s15], $0x80, s24, s15, $0xb8;
	[tilespmem:$0x1C800] =	vst v63  }
0x38: {  	s25 =	simm.s32 $0x8300;
	s28 =	simm.s32 $0x2  }
0x39: {  	[tilespmem:s21], [sflag:$0x6] =	stream.indirect.gather [hbm4b:s1+s15], $0x80, s25, s15, $0xb8;
	[tilespmem:$0x1C800] =	vst v63  }
0x3a: {  	_ =	swait.ge [sflag:s28], $0x2800  }
0x3b: {  	[sflag:s28] =	ssyncset.done $0x0  }
0x3c: {  	[sflag:s28] =	ssyncadd.s32 $0xFFFFD800  }
0x3d: {  	[bflag:$0x0] =	sbarrier.arrive $0xFFFF  }
0x3e: {  	s24 =	simm.s32 $0x1;
	s13 =	rddreg [dreg:$0xa]  }
.LBB2_2:
0x3f: {  	_ =	swait.ge [sflag:s23], $0x2000  }
0x40: {  	[sflag:s23] =	ssyncset.done $0x0  }
0x41: {  	s22 =	simm.s32 $0x8080;
	[sflag:s23] =	ssyncadd.s32 $0xFFFFE000  }
0x42: {  	[spmem:s2] =	stream.indirect.scatter.add.f32 [tilespmem:s4], [sflag:$0x7], $0x80, s22, s15, $0xb8;
	[tilespmem:$0x1C800] =	vst v63  }
0x43: {  	_ =	swait.ge [sflag:s26], $0x2000  }
0x44: {  	[sflag:s26] =	ssyncset.done $0x0  }
0x45: {  	s28 =	simm.s32 $0x8180;
	[sflag:s26] =	ssyncadd.s32 $0xFFFFE000  }
0x46: {  	[spmem:s2] =	stream.indirect.scatter.add.f32 [tilespmem:s17], [sflag:$0x8], $0x80, s28, s15, $0xb8;
	[tilespmem:$0x1C800] =	vst v63  }
0x47: {  	_ =	swait.ge [sflag:s29], $0x2000  }
0x48: {  	[sflag:s29] =	ssyncset.done $0x0  }
0x49: {  	[sflag:s29] =	ssyncadd.s32 $0xFFFFE000  }
0x4a: {  	[spmem:s2] =	stream.indirect.scatter.add.f32 [tilespmem:s19], [sflag:$0x9], $0x80, s30, s15, $0xb8;
	[tilespmem:$0x1C800] =	vst v63  }
0x4b: {  	_ =	swait.ge [sflag:s31], $0x2000  }
0x4c: {  	[sflag:s31] =	ssyncset.done $0x0  }
0x4d: {  	[sflag:s31] =	ssyncadd.s32 $0xFFFFE000  }
0x4e: {  	[spmem:s2] =	stream.indirect.scatter.add.f32 [tilespmem:s21], [sflag:$0xA], $0x80, s0, s15, $0xb8;
	[tilespmem:$0x1C800] =	vst v63  }
0x4f: {  	_ =	swait.ge [sflag:s3], $0x400  }
0x50: {  	[sflag:s3] =	ssyncset.done $0x0  }
0x51: {  	[sflag:s3] =	ssyncadd.s32 $0xFFFFFC00  }
0x52: {  	_ =	swait.ge [sflag:s16], $0x2000  }
0x53: {  	[sflag:s16] =	ssyncset.done $0x0  }
0x54: {  	[sflag:s16] =	ssyncadd.s32 $0xFFFFE000  }
0x55: {  	[tilespmem:s4], [sflag:$0x3] =	stream.indirect.gather [hbm4b:s1+s15], $0x80, s14, s15, $0xb8;
	[tilespmem:$0x1C800] =	vst v63  }
0x56: {  	_ =	swait.ge [sflag:s18], $0x2000  }
0x57: {  	[sflag:s18] =	ssyncset.done $0x0  }
0x58: {  	[sflag:s18] =	ssyncadd.s32 $0xFFFFE000  }
0x59: {  	[tilespmem:s17], [sflag:$0x4] =	stream.indirect.gather [hbm4b:s1+s15], $0x80, s20, s15, $0xb8;
	[tilespmem:$0x1C800] =	vst v63  }
0x5a: {  	_ =	swait.ge [sflag:s5], $0x2000  }
0x5b: {  	[sflag:s5] =	ssyncset.done $0x0  }
0x5c: {  	[sflag:s5] =	ssyncadd.s32 $0xFFFFE000  }
0x5d: {  	[tilespmem:s19], [sflag:$0x5] =	stream.indirect.gather [hbm4b:s1+s15], $0x80, s8, s15, $0xb8;
	[tilespmem:$0x1C800] =	vst v63  }
0x5e: {  	_ =	swait.ge [sflag:s6], $0x2000  }
0x5f: {  	[sflag:s6] =	ssyncset.done $0x0  }
0x60: {  	p0 =	seq.s32 s24, $0x27;
	[sflag:s6] =	ssyncadd.s32 $0xFFFFE000  }
0x61: {  	[tilespmem:s21], [sflag:$0x6] =	stream.indirect.gather [hbm4b:s1+s15], $0x80, s9, s15, $0xb8;
	[tilespmem:$0x1C800] =	vst v63  }
0x62: {  	s25 =	simm.s32 @!p0 $0x8000;
	s22 =	simm.s32 @!p0 $0x0  }
0x63: {  	[tilespmem:s25], [sflag:$0x1] =	stream.linear.gather @!p0 [hbm4b:s13+s22], $0x400, $0x38;
	[tilespmem:$0x1C800] =	vst v63  }
0x64: {  	_ =	swait.ge [sflag:s23], $0x2000  }
0x65: {  	[sflag:s23] =	ssyncset.done $0x0  }
0x66: {  	[sflag:s23] =	ssyncadd.s32 $0xFFFFE000  }
0x67: {  	[spmem:s2] =	stream.indirect.scatter.add.f32 [tilespmem:s4], [sflag:$0x7], $0x80, s7, s15, $0xb8;
	[tilespmem:$0x1C800] =	vst v63  }
0x68: {  	_ =	swait.ge [sflag:s26], $0x2000  }
0x69: {  	[sflag:s26] =	ssyncset.done $0x0  }
0x6a: {  	[sflag:s26] =	ssyncadd.s32 $0xFFFFE000  }
0x6b: {  	[spmem:s2] =	stream.indirect.scatter.add.f32 [tilespmem:s17], [sflag:$0x8], $0x80, s12, s15, $0xb8;
	[tilespmem:$0x1C800] =	vst v63  }
0x6c: {  	_ =	swait.ge [sflag:s29], $0x2000  }
0x6d: {  	[sflag:s29] =	ssyncset.done $0x0  }
0x6e: {  	[sflag:s29] =	ssyncadd.s32 $0xFFFFE000  }
0x6f: {  	[spmem:s2] =	stream.indirect.scatter.add.f32 [tilespmem:s19], [sflag:$0x9], $0x80, s10, s15, $0xb8;
	[tilespmem:$0x1C800] =	vst v63  }
0x70: {  	_ =	swait.ge [sflag:s31], $0x2000  }
0x71: {  	p1 =	slt.u32 s24, $0x27;
	[sflag:s31] =	ssyncset.done $0x0  }
0x72: {  	s22 =	simm.s32 @p1 $0x1;
	[sflag:s31] =	ssyncadd.s32 $0xFFFFE000  }
0x73: {  	[spmem:s2] =	stream.indirect.scatter.add.f32 [tilespmem:s21], [sflag:$0xA], $0x80, s11, s15, $0xb8;
	[tilespmem:$0x1C800] =	vst v63  }
0x74: {  	_ =	swait.ge @p1 [sflag:s22], $0x400  }
0x75: {  	[sflag:s22] =	ssyncset.done @p1 $0x0  }
0x76: {  	[sflag:s22] =	ssyncadd.s32 @p1 $0xFFFFFC00;
	s22 =	simm.s32 @p1 $0x7  }
0x77: {  	_ =	swait.ge @p1 [sflag:s22], $0x2000  }
0x78: {  	s28 =	simm.s32 @p1 $0x0;
	[sflag:s22] =	ssyncset.done @p1 $0x0  }
0x79: {  	s25 =	simm.s32 @p1 $0x8000;
	[sflag:s22] =	ssyncadd.s32 @p1 $0xFFFFE000;
	s22 =	simm.s32 @p1 $0x40  }
0x7a: {  	[tilespmem:s28], [sflag:$0x3] =	stream.indirect.gather @p1 [hbm4b:s1+s22], $0x80, s25, s22, $0xb8;
	[tilespmem:$0x1C800] =	vst v63  }
0x7b: {  	s25 =	simm.s32 @p1 $0x8  }
0x7c: {  	_ =	swait.ge @p1 [sflag:s25], $0x2000  }
0x7d: {  	[sflag:s25] =	ssyncset.done @p1 $0x0  }
0x7e: {  	s28 =	simm.s32 @p1 $0x2000;
	[sflag:s25] =	ssyncadd.s32 @p1 $0xFFFFE000;
	s25 =	simm.s32 @p1 $0x8100  }
0x7f: {  	[tilespmem:s28], [sflag:$0x4] =	stream.indirect.gather @p1 [hbm4b:s1+s22], $0x80, s25, s22, $0xb8;
	[tilespmem:$0x1C800] =	vst v63  }
0x80: {  	s25 =	simm.s32 @p1 $0x9  }
0x81: {  	_ =	swait.ge @p1 [sflag:s25], $0x2000  }
0x82: {  	[sflag:s25] =	ssyncset.done @p1 $0x0  }
0x83: {  	s28 =	simm.s32 @p1 $0x4000;
	[sflag:s25] =	ssyncadd.s32 @p1 $0xFFFFE000;
	s25 =	simm.s32 @p1 $0x8200  }
0x84: {  	[tilespmem:s28], [sflag:$0x5] =	stream.indirect.gather @p1 [hbm4b:s1+s22], $0x80, s25, s22, $0xb8;
	[tilespmem:$0x1C800] =	vst v63  }
0x85: {  	s25 =	simm.s32 @p1 $0xA  }
0x86: {  	_ =	swait.ge @p1 [sflag:s25], $0x2000  }
0x87: {  	[sflag:s25] =	ssyncset.done @p1 $0x0  }
0x88: {  	s28 =	simm.s32 @p1 $0x6000;
	[sflag:s25] =	ssyncadd.s32 @p1 $0xFFFFE000;
	s25 =	simm.s32 @p1 $0x8300  }
0x89: {  	[tilespmem:s28], [sflag:$0x6] =	stream.indirect.gather @p1 [hbm4b:s1+s22], $0x80, s25, s22, $0xb8;
	[tilespmem:$0x1C800] =	vst v63  }
0x8a: {  	s22 =	simm.s32 @!p1 $0x7  }
0x8b: {  	_ =	swait.ge @!p1 [sflag:s22], $0x2000  }
0x8c: {  	[sflag:s22] =	ssyncset.done @!p1 $0x0  }
0x8d: {  	[sflag:s22] =	ssyncadd.s32 @!p1 $0xFFFFE000;
	s22 =	simm.s32 @!p1 $0x8  }
0x8e: {  	_ =	swait.ge @!p1 [sflag:s22], $0x2000  }
0x8f: {  	[sflag:s22] =	ssyncset.done @!p1 $0x0  }
0x90: {  	[sflag:s22] =	ssyncadd.s32 @!p1 $0xFFFFE000;
	s22 =	simm.s32 @!p1 $0x9  }
0x91: {  	_ =	swait.ge @!p1 [sflag:s22], $0x2000  }
.Ltmp2:
0x92: {  	[sflag:s22] =	ssyncset.done @!p1 $0x0;
	(pc) =	sbr.rel @p0 .LBB2_4-.Ltmp2, $4  }
0x93: {  	[sflag:s22] =	ssyncadd.s32 @!p1 $0xFFFFE000;
	s22 =	simm.s32 @!p1 $0xA  }
0x94: {  	_ =	swait.ge @!p1 [sflag:s22], $0x2000  }
0x95: {  	[sflag:s22] =	ssyncset.done @!p1 $0x0  }
0x96: {  	[sflag:s22] =	ssyncadd.s32 @!p1 $0xFFFFE000  }
.Ltmp3:
0x97: {  	(pc) =	sbr.rel .LBB2_2-.Ltmp3, $3  }
0x98: {  	_ =	sdelay $0x1  }
0x99: {  	s22 =	sadd.s32 $0x80, s13;
	s13 =	sadd.s32 $0x100, s13;
	s24 =	sadd.s32 $0x2, s24  }
0x9a: {  	[tilespmem:s14], [sflag:$0x1] =	stream.linear.gather [hbm4b:s22+s4], $0x400, $0x38;
	[tilespmem:$0x1C800] =	vst v63  }
.LBB2_5:
0x9b: {  	_ =	sfence.sel $0x180000  }
0x9c: {  	[bflag:$0x0] =	sbarrier.arrive $0xFFFF  }
0x9d: {  	_ =	strace $0x9000004D  }
0x9e: {  	s0 =	stileid.u32;
	[bflag:$0x2] =	sbarrier.arrive $0xFFFF  }
0x9f: {  	p0 =	sne.s32 s0, $0x0;
	s0 =	rddreg [dreg:$0x3]  }
0xa0: {  	s0 =	sadd.s32 @!p0 $0x100000, s0  }
0xa1: {  	[sflag:s0] =	ssyncadd.tile.s32 @!p0 $0x1;
	_ =	shalt  }
.Lfunc_end2:
_tile_overlayer_lowered:
.L_overlay_start_2:
0xa2: {  	(tag) =	ssettag $0x2  }
0xa3: {  	s0 =	rddreg [dreg:$0x0];
	s2 =	stileid.u32  }
0xa4: {  	s1 =	rddreg [dreg:$0x1];
	p0 =	sne.s32 s2, $0x0  }
0xa5: {  	s3 =	rddreg [dreg:$0x2];
	[bflag:$0x3] =	sbarrier.arrive $0xFFFF;
	s2 =	simm.s32 @!p0 $0x1C0B  }
0xa6: {  	[timem:s3], [sflag:s2] =	dma.local @!p0 [hbm:s0], s1  }
0xa7: {  	s0 =	simm.s32 @!p0 $0xB  }
0xa8: {  	_ =	swait.ge @!p0 [sflag:s0], s1  }
0xa9: {  	s1 =	ssub.s32 @!p0 $0x0, s1;
	[sflag:s0] =	ssyncset.done @!p0 $0x0  }
0xaa: {  	[sflag:s0] =	ssyncadd.s32 @!p0 s1  }
0xab: {  	[bflag:$0x3] =	sbarrier.arrive $0xFFFF  }
0xac: {  	_ =	shalt  }

// kernel: kernel.8.cloned.1.call-start
scs
__scs_entry_jumppad:
0x0: {  	(pc) =	sbr.rel $0x88, $3  }
0x1: {  	(tag) =	ssettag $0x0;
	lr =	simm.s32 $0x1  }
0x2: {  	[smem:$0x3F9B] =	sst lr;
	_ =	strace $0xD0000000  }
0x3: {  	_ = 	snop  }
0x4: {  	_ = 	snop  }
0x5: {  	_ = 	snop  }
0x6: {  	_ = 	snop  }
0x7: {  	_ = 	snop  }
__scs_overlays_trampoline_lowered:
0x8: {  	[smem:$0x3FAA] =	sst s0  }
0x9: {  	[smem:$0x3FAB] =	sst s1  }
0xa: {  	[smem:$0x3FAC] =	sst s2  }
0xb: {  	[smem:$0x3FAD] =	sst s3  }
0xc: {  	[smem:$0x3FAE] =	sst s4  }
0xd: {  	[smem:$0x3FAF] =	sst s5  }
0xe: {  	[smem:$0x3FB0] =	sst s6  }
0xf: {  	[smem:$0x3FB1] =	sst s7  }
0x10: {  	[smem:$0x3FB2] =	sst s8  }
0x11: {  	[smem:$0x3FB3] =	sst s9;
	s0 =	simm.s32 @!p0 $0x0  }
0x12: {  	s1 =	sld [smem:$0x3F99];
	s0 =	simm.s32 @p0 $0x1  }
0x13: {  	[smem:$0x3FB4] =	sst s0;
	s0 =	simm.s32 @!p1 $0x0  }
0x14: {  	s2 =	sld [smem:$0x3F98];
	s0 =	simm.s32 @p1 $0x1  }
0x15: {  	[smem:$0x3FB5] =	sst s0;
	s0 =	simm.s32 @!p2 $0x0  }
0x16: {  	s3 =	sld [smem:$0x3FDB];
	s0 =	simm.s32 @p2 $0x1  }
0x17: {  	s4 =	simm.s32 $0x1BF5;
	[smem:$0x3FB7] =	sst s0  }
0x18: {  	s0 =	sld [smem:$0x3F9A];
	_ =	swait.ge [sflag:s4], $0x0  }
0x19: {  	s7 =	sld [smem:$0x3F9B]  }
0x1a: {  	s8 =	sadd.s32 $0xFFFFE003, lr  }
0x1b: {  	s9 =	sadd.s32 $0xFFFFFEF7, lr;
	s5 =	simm.s32 $0xFFFFFFFF;
	p2 =	slt.u32 s8, $0xFFFFF086  }
0x1c: {  	p1 =	slt.u32 s9, $0xF7A;
	s5 =	simm.s32 @!p2 $0x0  }
0x1d: {  	s5 =	simm.s32 @p1 $0x1;
	p0 =	seq.s32 s7, s2  }
0x1e: {  	s7 =	smul.u32 @!p0 $0xF7A, s2;
	p2 =	seq.s32 @!p0 s5, $0x0  }
0x1f: {  	s9 =	smul.u32 $0xF7A, s1;
	s8 =	simm.s32 @!p0 $0x1BF5;
	p2 =	por !p2, p0  }
0x20: {  	[sflag:s8] =	ssyncset.s32 @!p0 $0xFFFFF086;
	s6 =	sadd.s32 @!p0 s3, s7;
	s7 =	simm.s32 @!p0 $0x108  }
0x21: {  	s3 =	sadd.s32 s3, s9;
	s6 =	sadd.s32 @!p0 $0x88, s6;
	s7 =	simm.s32 @p2 $0x1082  }
0x22: {  	[simem:s7], [sflag:s8] =	dma.local @!p0 [hbm:s6], $0xF7A  }
0x23: {  	s9 =	sor.u32 $0xD0000000, s2;
	s6 =	simm.s32 $0x108;
	_ =	swait.ge @!p0 [sflag:s8], $0x0  }
0x24: {  	s3 =	sadd.s32 $0x88, s3;
	s6 =	simm.s32 @!p1 $0x1082;
	[sflag:s4] =	ssyncset.s32 $0xFFFFF086  }
0x25: {  	[simem:s6], [sflag:s4] =	dma.local [hbm:s3], $0xF7A  }
0x26: {  	[smem:$0x3F9B] =	sst s1;
	(tag) =	ssettag s2;
	_ =	strace s9  }
0x27: {  	s1 =	sld [smem:$0x3FAB]  }
0x28: {  	s2 =	sld [smem:$0x3FAC]  }
0x29: {  	s4 =	sld [smem:$0x3FAE]  }
0x2a: {  	p0 =	seq.s32 s5, $0x0;
	s5 =	sld [smem:$0x3FAF]  }
0x2b: {  	s6 =	sld [smem:$0x3FB0]  }
0x2c: {  	s7 =	sld [smem:$0x3FB1]  }
0x2d: {  	s3 =	simm.s32 $0x108;
	s8 =	sld [smem:$0x3FB2]  }
0x2e: {  	s3 =	simm.s32 @!p0 $0x1082;
	s9 =	sld [smem:$0x3FB3]  }
0x2f: {  	lr =	sadd.s32 s0, s3;
	s0 =	sld [smem:$0x3FAA]  }
0x30: {  	s3 =	sld [smem:$0x3FAD]  }
0x31: {  	[smem:$0x3FB6] =	sst s10  }
0x32: {  	s10 =	sld [smem:$0x3FB4];
	_ =	sdelay $0x3  }
0x33: {  	p0 =	seq.s32 s10, $0x1;
	s10 =	sld [smem:$0x3FB6];
	_ =	sdelay $0x3  }
0x34: {  	[smem:$0x3FB6] =	sst s10  }
0x35: {  	s10 =	sld [smem:$0x3FB5];
	_ =	sdelay $0x3  }
0x36: {  	p1 =	seq.s32 s10, $0x1;
	s10 =	sld [smem:$0x3FB6];
	_ =	sdelay $0x3  }
0x37: {  	[smem:$0x3FB6] =	sst s10  }
0x38: {  	s10 =	sld [smem:$0x3FB7]  }
0x39: {  	_ = 	snop;
	(pc) =	sbr.ind lr, $3  }
0x3a: {  	_ = 	snop  }
0x3b: {  	_ = 	snop  }
0x3c: {  	p2 =	seq.s32 s10, $0x1;
	s10 =	sld [smem:$0x3FB6]  }
0x3d: {  	_ =	shalt  }
0x3e: {  	_ =	shalt  }
0x3f: {  	_ =	shalt  }
0x40: {  	_ =	shalt  }
0x41: {  	_ =	shalt  }
0x42: {  	_ =	shalt  }
0x43: {  	_ =	shalt  }
0x44: {  	_ =	shalt  }
0x45: {  	_ =	shalt  }
0x46: {  	_ =	shalt  }
0x47: {  	_ =	shalt  }
0x48: {  	_ =	shalt  }
0x49: {  	_ =	shalt  }
0x4a: {  	_ =	shalt  }
0x4b: {  	_ =	shalt  }
0x4c: {  	_ =	shalt  }
0x4d: {  	_ =	shalt  }
0x4e: {  	_ =	shalt  }
0x4f: {  	_ =	shalt  }
0x50: {  	_ =	shalt  }
0x51: {  	_ =	shalt  }
0x52: {  	_ =	shalt  }
0x53: {  	_ =	shalt  }
0x54: {  	_ =	shalt  }
0x55: {  	_ =	shalt  }
0x56: {  	_ =	shalt  }
0x57: {  	_ =	shalt  }
0x58: {  	_ =	shalt  }
0x59: {  	_ =	shalt  }
0x5a: {  	_ =	shalt  }
0x5b: {  	_ =	shalt  }
0x5c: {  	_ =	shalt  }
0x5d: {  	_ =	shalt  }
0x5e: {  	_ =	shalt  }
0x5f: {  	_ =	shalt  }
0x60: {  	_ =	shalt  }
0x61: {  	_ =	shalt  }
0x62: {  	_ =	shalt  }
0x63: {  	_ =	shalt  }
0x64: {  	_ =	shalt  }
0x65: {  	_ =	shalt  }
0x66: {  	_ =	shalt  }
0x67: {  	_ =	shalt  }
0x68: {  	_ =	shalt  }
0x69: {  	_ =	shalt  }
0x6a: {  	_ =	shalt  }
0x6b: {  	_ =	shalt  }
0x6c: {  	_ =	shalt  }
0x6d: {  	_ =	shalt  }
0x6e: {  	_ =	shalt  }
0x6f: {  	_ =	shalt  }
0x70: {  	_ =	shalt  }
0x71: {  	_ =	shalt  }
0x72: {  	_ =	shalt  }
0x73: {  	_ =	shalt  }
0x74: {  	_ =	shalt  }
0x75: {  	_ =	shalt  }
0x76: {  	_ =	shalt  }
0x77: {  	_ =	shalt  }
0x78: {  	_ =	shalt  }
0x79: {  	_ =	shalt  }
0x7a: {  	_ =	shalt  }
0x7b: {  	_ =	shalt  }
0x7c: {  	_ =	shalt  }
0x7d: {  	_ =	shalt  }
0x7e: {  	_ =	shalt  }
0x7f: {  	_ =	shalt  }
0x80: {  	_ =	shalt  }
0x81: {  	_ =	shalt  }
0x82: {  	_ =	shalt  }
0x83: {  	_ =	shalt  }
0x84: {  	_ =	shalt  }
0x85: {  	_ =	shalt  }
0x86: {  	_ =	shalt  }
0x87: {  	_ =	shalt  }
.Lfunc_end0:
.L_simem_size_0:
called_computation_lowered:
.L_overlay_start_0:
0x88: {  	s2 =	sld [smem:$0x3FD9]  }
0x89: {  	s3 =	sld [smem:$0x3FFE];
	_ =	sdelay $0x1  }
0x8a: {  	s1 =	srdreg.scid  }
0x8b: {  	s0 =	sand.u32 $0x1, s1  }
0x8c: {  	s17 =	sshll.u32 s0, $0xA;
	s2 =	sadd.s32 s3, s2  }
0x8d: {  	s2 =	sadd.s32 s2, s17  }
0x8e: {  	[smem:$0x3FC2] =	sst s2  }
0x8f: {  	_ = 	snop  }
0x90: {  	s2 =	sld [smem:$0x3FD0];
	(tm) =	ssettm $0x1  }
0x91: {  	s18 =	sld [smem:$0x3FFB];
	_ =	sdelay $0x3  }
0x92: {  	_ =	strace s18  }
0x93: {  	s3 =	sld [smem:$0x3FFC];
	_ =	sdelay $0x3  }
0x94: {  	_ =	strace s3  }
0x95: {  	s3 =	sld [smem:$0x3FFD];
	_ =	sdelay $0x3  }
0x96: {  	_ =	strace s3  }
0x97: {  	_ =	strace $0x8FFFFFFF  }
0x98: {  	s19 =	sld [smem:$0x3FDB];
	_ =	sdelay $0x1  }
0x99: {  	s4 =	simm.s32 $_scs_section_size  }
0x9a: {  	s5 =	simm.s32 $_size__tile_overlayer_lowered;
	s6 =	simm.s32 $_tile_overlayer_lowered  }
0x9b: {  	s22 =	simm.s32 $0x1BFF;
	s21 =	sshll.u32 s6, $0x1;
	s3 =	sadd.s32 s4, s19  }
0x9c: {  	s7 =	simm.s32 $0x0;
	s20 =	sshll.u32 s5, $0x1;
	s5 =	sadd.s32 s21, s3  }
0x9d: {  	[timem:s7], [sflag:s22] =	dma.local [hbm:s5], s20  }
0x9e: {  	_ =	swait.ge [sflag:s22], s20  }
0x9f: {  	s4 =	ssub.s32 $0x0, s20;
	[sflag:s22] =	ssyncset.done $0x0  }
0xa0: {  	[sflag:s22] =	ssyncadd.s32 s4;
	_ =	sdelay $0x1  }
0xa1: {  	s23 =	simm.s32 $0x1B8B  }
0xa2: {  	_ =	swait.ge [sflag:s23], $0x1  }
0xa3: {  	[sflag:s23] =	ssyncset.done $0x0  }
0xa4: {  	s25 =	simm.s32 $0x1B8E;
	s24 =	sld [smem:$0x3FFE];
	[sflag:s23] =	ssyncadd.s32 $0xFFFFFFFF  }
0xa5: {  	s26 =	simm.s32 $execute0_lowered;
	[smem:$0x3FD2] =	sst s25  }
0xa6: {  	s5 =	sshll.u32 s26, $0x1;
	_ =	strace $0x80000046;
	[dreg:$0x1] =	wrdreg $0xFFFFFFFF  }
0xa7: {  	s28 =	simm.s32 $_size_execute0_lowered;
	s3 =	sadd.s32 s3, s5;
	[dreg:$0x0] =	wrdreg $0x0  }
0xa8: {  	s5 =	sshll.u32 s28, $0x1;
	[dreg:$0x2] =	wrdreg s3  }
0xa9: {  	[dreg:$0x3] =	wrdreg s5  }
0xaa: {  	[dreg:$0x4] =	wrdreg $0xC0  }
0xab: {  	_ =	task [dreg:s7], $0x5FFFF  }
0xac: {  	[dreg:$0x1] =	wrdreg $0xFFFFFFFF  }
0xad: {  	[dreg:$0x0] =	wrdreg $0x60  }
0xae: {  	[dreg:$0x2] =	wrdreg s2  }
0xaf: {  	[dreg:$0x3] =	wrdreg s24  }
0xb0: {  	[dreg:$0x4] =	wrdreg $0x9  }
0xb1: {  	_ =	task.clear_ibuf [dreg:s7], $0x5FFFF;
	_ =	strace $0x90000046  }
0xb2: {  	s29 =	simm.s32 $0x9;
	_ =	strace $0x80000048  }
0xb3: {  	_ =	swait.ge [sflag:s29], $0x1  }
0xb4: {  	[sflag:s29] =	ssyncadd.s32 $0xFFFFFFFF  }
0xb5: {  	_ =	strace $0x90000048  }
0xb6: {  	_ =	sfence  }
0xb7: {  	s30 =	sld [smem:$0x0];
	_ =	sdelay $0x2  }
0xb8: {  	s31 =	sshll.u32 s1, $0xD;
	s1 =	sshrl.u32 s1, $0x2  }
0xb9: {  	s3 =	sand.u32 $0x4000, s31;
	s1 =	sadd.s32 s1, s30  }
0xba: {  	s0 =	sor.u32 s3, s0;
	s1 =	sshll.u32 s1, $0x11  }
0xbb: {  	s0 =	sor.u32 s1, s0  }
0xbc: {  	s0 =	sadd.s32 $0x8F2B, s0  }
0xbd: {  	[sflag:s0] =	ssyncadd.remote.s32 $0x1  }
0xbe: {  	_ =	sfence.sel $0xFFFF  }
0xbf: {  	[dreg:$0x0] =	wrdreg $0xFFFFFFFF;
	(pc) =	sbr.abs _section_cstart, $3  }
0xc0: {  	[dreg:$0x1] =	wrdreg $0xFFFFFFFF  }
0xc1: {  	_ =	task.clear_ibuf [dreg:s7], $0x2FFFF;
	_ =	strace $0x9FFFFFFF  }
0xc2: {  	(tm) =	ssettm $0x7FFFFFFF  }
0xc3: {  	_ =	shalt  }
tec
execute0_lowered:
.L_overlay_start_1:
0x0: {  	(tag) =	ssettag $0x1  }
0x1: {  	s0 =	srdreg.scid;
	s4 =	rddreg [dreg:$0x0]  }
0x2: {  	s5 =	rddreg [dreg:$0x1];
	s1 =	stileid.u32;
	s3 =	sand.u32 $0x1, s0  }
0x3: {  	s2 =	simm.s32 $0x0;
	s9 =	simm.s32 $0x2;
	s6 =	sshll.u32 s3, $0x4  }
0x4: {  	s10 =	simm.s32 $0x3;
	s0 =	rddreg [dreg:$0x2];
	s6 =	sor.u32 s1, s6  }
0x5: {  	s11 =	simm.s32 $0x0;
	[smem:$0x7FF] =	sst s2;
	s7 =	smul.u32 $0x2800, s6  }
0x6: {  	_ =	strace $0x80000047;
	s8 =	ssub.s32 $0x2, s3;
	s6 =	smul.u32 $0x4E2, s6  }
0x7: {  	s3 =	sadd.s32 $0x2000, s5;
	s31 =	sshrl.u32 s8, $0x1;
	s5 =	sadd.s32 s7, s5  }
0x8: {  	s7 =	ssub.s32 s8, s31;
	s4 =	sadd.s32 s4, s6;
	s8 =	simm.s32 $0x1  }
0x9: {  	v0 =	vimm.f32 $1.000000000e+00;
	s5 =	sadd.s32 $0x4800, s5;
	s6 =	smax.u32 s7, $0x1;
	s7 =	simm.s32 $0x2780  }
.LBB2_1:
0xa: {  	[tilespmem:s7], [sflag:$0x1] =	stream.linear.gather [hbm4b:s3+s2], $0x14000, $0x38;
	[tilespmem:$0x16780] =	vst v63  }
0xb: {  	_ = 	snop  }
0xc: {  	[tilespmem:s2], [sflag:$0x2] =	stream.linear.gather [hbm4b:s4+s2], $0x2710, $0x38;
	[tilespmem:$0x16780] =	vst v63  }
0xd: {  	_ =	swait.ge [sflag:s8], $0x14000  }
0xe: {  	[sflag:s8] =	ssyncset.done $0x0  }
0xf: {  	[sflag:s8] =	ssyncadd.s32 $0xFFFEC000  }
0x10: {  	_ =	swait.ge [sflag:s9], $0x2710  }
0x11: {  	[sflag:s9] =	ssyncset.done $0x0  }
0x12: {  	s12 =	simm.s32 $0x0;
	[sflag:s9] =	ssyncadd.s32 $0xFFFFD8F0  }
.LBB2_2:
0x13: {  	s13 =	sshra.s32 s12, $0x2  }
0x14: {  	v1 =	vld [tilespmem:s13+$0x0];
	_ =	sdelay $0x4  }
0x15: {  	v2 =	vshll.u32 v1, $0x3  }
0x16: {  	v1 =	vand.u32 $0xF, v1;
	v2 =	vand.u32 $0xFFFFFF80, v2  }
0x17: {  	v1 =	vor.u32 v1, v2;
	_ =	sdelay $0x4  }
0x18: {  	[tilespmem:v1+s7+$0x0] =	vst.idx.add.f32.msk $0xffff, v0  }
0x19: {  	v1 =	vld [tilespmem:s13+$0x10];
	_ =	sdelay $0x4  }
0x1a: {  	v2 =	vshll.u32 v1, $0x3  }
0x1b: {  	v1 =	vand.u32 $0xF, v1;
	v2 =	vand.u32 $0xFFFFFF80, v2  }
0x1c: {  	v1 =	vor.u32 v1, v2;
	_ =	sdelay $0x4  }
0x1d: {  	[tilespmem:v1+s7+$0x0] =	vst.idx.add.f32.msk $0xffff, v0  }
0x1e: {  	v1 =	vld [tilespmem:s13+$0x20];
	_ =	sdelay $0x4  }
0x1f: {  	v2 =	vshll.u32 v1, $0x3  }
0x20: {  	v1 =	vand.u32 $0xF, v1;
	v2 =	vand.u32 $0xFFFFFF80, v2  }
0x21: {  	v1 =	vor.u32 v1, v2;
	_ =	sdelay $0x4  }
0x22: {  	[tilespmem:v1+s7+$0x0] =	vst.idx.add.f32.msk $0xffff, v0  }
0x23: {  	v1 =	vld [tilespmem:s13+$0x30];
	_ =	sdelay $0x4  }
0x24: {  	v2 =	vshll.u32 v1, $0x3  }
0x25: {  	v1 =	vand.u32 $0xF, v1;
	v2 =	vand.u32 $0xFFFFFF80, v2  }
0x26: {  	v1 =	vor.u32 v1, v2;
	_ =	sdelay $0x4  }
0x27: {  	[tilespmem:v1+s7+$0x0] =	vst.idx.add.f32.msk $0xffff, v0  }
0x28: {  	v1 =	vld [tilespmem:s13+$0x40];
	_ =	sdelay $0x4  }
0x29: {  	v2 =	vshll.u32 v1, $0x3  }
0x2a: {  	v1 =	vand.u32 $0xF, v1;
	v2 =	vand.u32 $0xFFFFFF80, v2  }
0x2b: {  	p0 =	sne.s32 s12, $0x9B00;
	v1 =	vor.u32 v1, v2  }
.Ltmp0:
0x2c: {  	_ = 	snop;
	(pc) =	sbr.rel @p0 .LBB2_2-.Ltmp0, $2  }
0x2d: {  	_ =	sdelay $0x2  }
0x2e: {  	s12 =	sadd.s32 $0x140, s12;
	[tilespmem:v1+s7+$0x0] =	vst.idx.add.f32.msk $0xffff, v0  }
0x2f: {  	s11 =	sadd.s32 $0x1, s11  }
0x30: {  	p0 =	sne.s32 s11, s6  }
.Ltmp1:
0x31: {  	_ = 	snop;
	(pc) =	sbr.rel @p0 .LBB2_1-.Ltmp1, $4  }
0x32: {  	[hbm4b:s5+s2] =	stream.linear.scatter [tilespmem:s7], [sflag:$0x3], $0x14000, $0x38;
	[tilespmem:$0x16780] =	vst v63  }
0x33: {  	_ =	swait.ge [sflag:s10], $0x14000  }
0x34: {  	[sflag:s10] =	ssyncset.done $0x0  }
0x35: {  	[sflag:s10] =	ssyncadd.s32 $0xFFFEC000  }
0x36: {  	_ =	sfence.sel $0x180000  }
0x37: {  	[bflag:$0x0] =	sbarrier.arrive $0xFFFF  }
0x38: {  	p0 =	sne.s32 s1, $0x0;
	_ =	strace $0x90000047  }
0x39: {  	s0 =	sadd.s32 @!p0 $0x100000, s0;
	[bflag:$0x2] =	sbarrier.arrive $0xFFFF  }
0x3a: {  	[sflag:s0] =	ssyncadd.tile.s32 @!p0 $0x1;
	_ =	shalt  }
.Lfunc_end2:
_tile_overlayer_lowered:
.L_overlay_start_2:
0x3b: {  	(tag) =	ssettag $0x2  }
0x3c: {  	s0 =	rddreg [dreg:$0x0];
	s2 =	stileid.u32  }
0x3d: {  	s1 =	rddreg [dreg:$0x1];
	p0 =	sne.s32 s2, $0x0  }
0x3e: {  	s3 =	rddreg [dreg:$0x2];
	[bflag:$0x3] =	sbarrier.arrive $0xFFFF;
	s2 =	simm.s32 @!p0 $0x1C03  }
0x3f: {  	[timem:s3], [sflag:s2] =	dma.local @!p0 [hbm:s0], s1  }
0x40: {  	s0 =	simm.s32 @!p0 $0x3  }
0x41: {  	_ =	swait.ge @!p0 [sflag:s0], s1  }
0x42: {  	s1 =	ssub.s32 @!p0 $0x0, s1;
	[sflag:s0] =	ssyncset.done @!p0 $0x0  }
0x43: {  	[sflag:s0] =	ssyncadd.s32 @!p0 s1  }
0x44: {  	[bflag:$0x3] =	sbarrier.arrive $0xFFFF  }
0x45: {  	_ =	shalt  }

</sc_bundles>
